<compile_context>
chip_gen: v7x
topology: tpu7x:2x2x1
jax: 0.10.2.dev20260603
libtpu: 0.0.44.dev20260713+nightly
codegen_flags: <defaults>
</compile_context>

<pallas_src>
import functools

import jax
import jax.numpy as jnp
from jax import lax
from jax.experimental import pallas as pl
from jax.experimental.pallas import tpu as pltpu
from jax.experimental.pallas import tpu_sc as plsc

NC = 2
NS = 16
NW = NC * NS
CH = 128



def _dot_t(a, w):
    return lax.dot_general(a, w, (((1,), (1,)), ((), ())),
                           preferred_element_type=jnp.float32)


def _transform(xp, w_l, w_r, b, br):
    npad, d = xp.shape
    grid = npad // br

    def body(x_ref, wl_ref, wr_ref, b_ref, z_ref, r_ref):
        xb = x_ref[...]
        z_ref[...] = _dot_t(xb, wl_ref[...])
        r_ref[...] = _dot_t(xb, wr_ref[...]) + b_ref[...]

    return pl.pallas_call(
        body,
        grid=(grid,),
        in_specs=[
            pl.BlockSpec((br, d), lambda i: (i, 0)),
            pl.BlockSpec((d, d), lambda i: (0, 0)),
            pl.BlockSpec((d, d), lambda i: (0, 0)),
            pl.BlockSpec((1, d), lambda i: (0, 0)),
        ],
        out_specs=[
            pl.BlockSpec((br, d), lambda i: (i, 0)),
            pl.BlockSpec((br, d), lambda i: (i, 0)),
        ],
        out_shape=[
            jax.ShapeDtypeStruct((npad, d), jnp.float32),
            jax.ShapeDtypeStruct((npad, d), jnp.float32),
        ],
    )(xp, w_l, w_r, b.reshape(1, d))


def _combine_transform(p, c, r1, w_l, w_r, b, br):
    npad, d = r1.shape
    grid = npad // br

    def body(p_ref, c_ref, r1_ref, wl_ref, wr_ref, b_ref, z_ref, r_ref):
        agg = p_ref[0] + p_ref[1]
        cnt = jnp.maximum(c_ref[0] + c_ref[1], 1.0).reshape(br, 1)
        h = jnp.maximum(agg / cnt + r1_ref[...], 0.0)
        z_ref[...] = _dot_t(h, wl_ref[...])
        r_ref[...] = _dot_t(h, wr_ref[...]) + b_ref[...]

    return pl.pallas_call(
        body,
        grid=(grid,),
        in_specs=[
            pl.BlockSpec((2, br, d), lambda i: (0, i, 0)),
            pl.BlockSpec((2, br), lambda i: (0, i)),
            pl.BlockSpec((br, d), lambda i: (i, 0)),
            pl.BlockSpec((d, d), lambda i: (0, 0)),
            pl.BlockSpec((d, d), lambda i: (0, 0)),
            pl.BlockSpec((1, d), lambda i: (0, 0)),
        ],
        out_specs=[
            pl.BlockSpec((br, d), lambda i: (i, 0)),
            pl.BlockSpec((br, d), lambda i: (i, 0)),
        ],
        out_shape=[
            jax.ShapeDtypeStruct((npad, d), jnp.float32),
            jax.ShapeDtypeStruct((npad, d), jnp.float32),
        ],
    )(p, c, r1, w_l, w_r, b.reshape(1, d))


def _final(p, c, r2, br):
    npad, d = r2.shape
    grid = npad // br

    def body(p_ref, c_ref, r2_ref, o_ref):
        agg = p_ref[0] + p_ref[1]
        cnt = jnp.maximum(c_ref[0] + c_ref[1], 1.0).reshape(br, 1)
        o_ref[...] = agg / cnt + r2_ref[...]

    return pl.pallas_call(
        body,
        grid=(grid,),
        in_specs=[
            pl.BlockSpec((2, br, d), lambda i: (0, i, 0)),
            pl.BlockSpec((2, br), lambda i: (0, i)),
            pl.BlockSpec((br, d), lambda i: (i, 0)),
        ],
        out_specs=pl.BlockSpec((br, d), lambda i: (i, 0)),
        out_shape=jax.ShapeDtypeStruct((npad, d), jnp.float32),
    )(p, c, r2)



def _sc_scatter(z, src, dst, zeros_c, nch, compute_counts):
    npad, d = z.shape
    rows_pt = npad // NS
    mesh = plsc.VectorSubcoreMesh(core_axis_name="c", subcore_axis_name="s")

    out_type = [jax.ShapeDtypeStruct((NC, npad, d), z.dtype)]
    if compute_counts:
        out_type.append(jax.ShapeDtypeStruct((NC * npad,), jnp.float32))

    scratch = dict(
        agg_sh=pltpu.VMEM_SHARED((npad, d), z.dtype),
        src_v=pltpu.VMEM((CH,), jnp.int32),
        dst_v=pltpu.VMEM((CH,), jnp.int32),
        rows_v=pltpu.VMEM((CH, d), z.dtype),
        sem=pltpu.SemaphoreType.DMA,
    )
    if compute_counts:
        scratch.update(
            cnt_sh=pltpu.VMEM_SHARED((npad,), jnp.float32),
            ones_v=pltpu.VMEM((CH,), jnp.float32),
            zc_v=pltpu.VMEM((rows_pt,), jnp.float32),
        )

    @functools.partial(pl.kernel, out_type=out_type, mesh=mesh,
                       scratch_types=scratch)
    def k(z_hbm, src_hbm, dst_hbm, zeros_hbm, p_hbm, *rest,
          agg_sh, src_v, dst_v, rows_v, sem,
          cnt_sh=None, ones_v=None, zc_v=None):
        cid = lax.axis_index("c")
        sid = lax.axis_index("s")
        wid = sid * NC + cid
        r0 = sid * rows_pt

        pltpu.sync_copy(zeros_hbm, agg_sh.at[pl.ds(r0, rows_pt)])
        if compute_counts:
            one16 = jnp.ones((16,), jnp.float32)
            zer16 = jnp.zeros((16,), jnp.float32)

            @pl.loop(0, CH // 16)
            def _(i):
                ones_v[pl.ds(i * 16, 16)] = one16

            @pl.loop(0, rows_pt // 16)
            def _(i):
                zc_v[pl.ds(i * 16, 16)] = zer16

            pltpu.sync_copy(zc_v, cnt_sh.at[pl.ds(r0, rows_pt)])
        plsc.subcore_barrier()

        @pl.loop(0, nch)
        def _(ch):
            base = (wid * nch + ch) * CH
            pltpu.sync_copy(src_hbm.at[pl.ds(base, CH)], src_v)
            pltpu.sync_copy(dst_hbm.at[pl.ds(base, CH)], dst_v)
            pltpu.async_copy(z_hbm.at[src_v], rows_v, sem).wait()
            pltpu.sync_copy(rows_v, agg_sh.at[dst_v], add=True)
            if compute_counts:
                pltpu.sync_copy(ones_v, cnt_sh.at[dst_v], add=True)

        plsc.subcore_barrier()
        pltpu.sync_copy(agg_sh.at[pl.ds(r0, rows_pt)],
                        p_hbm.at[cid, pl.ds(r0, rows_pt)])
        if compute_counts:
            (c_hbm,) = rest
            pltpu.sync_copy(cnt_sh.at[pl.ds(r0, rows_pt)], zc_v)
            pltpu.sync_copy(zc_v, c_hbm.at[pl.ds(cid * npad + r0, rows_pt)])

    return k(z, src, dst, zeros_c)



def kernel(x, edge_index, W1_l, W1_r, b1, W2_l, W2_r, b2):
    n, d = x.shape
    e = edge_index.shape[1]

    npad = ((n + 1 + 255) // 256) * 256
    rows_pt = npad // NS
    br = npad // 8

    per_w = ((e + NW * CH - 1) // (NW * CH)) * CH
    nch = per_w // CH
    e_pad = per_w * NW

    src = jnp.pad(edge_index[0].astype(jnp.int32), (0, e_pad - e))
    dst = jnp.pad(edge_index[1].astype(jnp.int32), (0, e_pad - e),
                  constant_values=n)
    xp = jnp.pad(x, ((0, npad - n), (0, 0)))

    zeros_c = jnp.zeros((rows_pt, d), jnp.float32)

    z1, r1 = _transform(xp, W1_l, W1_r, b1, br)
    p1, c = _sc_scatter(z1, src, dst, zeros_c, nch, True)
    c2 = c.reshape(NC, npad)
    z2, r2 = _combine_transform(p1, c2, r1, W2_l, W2_r, b2, br)
    (p2,) = _sc_scatter(z2, src, dst, zeros_c, nch, False)
    out = _final(p2, c2, r2, br)
    return out[:n]

# --- scband reference (transcript-rebuilt; emitter-appended) ---
"""Pipeline reference for scband-gnn-51127290692125 (READ-ONLY COPY).

The authoritative reference and input builder live on the scoring server;
editing this copy changes nothing except your own understanding.
"""

import jax, jax.numpy as jnp
import numpy as np

N_NODES = 10000
N_EDGES = 320000
D_IN = 128
D_HID = 128
D_OUT = 128


def setup_inputs(seed: int = 0) -> dict:
    key = jax.random.key(seed)
    ks = jax.random.split(key, 8)
    x = jax.random.normal(ks[0], (N_NODES, D_IN), dtype=jnp.float32)
    edge_index = jax.random.randint(ks[1], (2, N_EDGES), 0, N_NODES, dtype=jnp.int64)
    s1 = 1.0 / np.sqrt(D_IN)
    s2 = 1.0 / np.sqrt(D_HID)
    W1_l = jax.random.uniform(ks[2], (D_HID, D_IN), jnp.float32, -s1, s1)
    W1_r = jax.random.uniform(ks[3], (D_HID, D_IN), jnp.float32, -s1, s1)
    b1 = jnp.zeros((D_HID,), jnp.float32)
    W2_l = jax.random.uniform(ks[4], (D_OUT, D_HID), jnp.float32, -s2, s2)
    W2_r = jax.random.uniform(ks[5], (D_OUT, D_HID), jnp.float32, -s2, s2)
    b2 = jnp.zeros((D_OUT,), jnp.float32)
    return {"x": x, "edge_index": edge_index, "W1_l": W1_l, "W1_r": W1_r, "b1": b1,
            "W2_l": W2_l, "W2_r": W2_r, "b2": b2}


def _sage_conv(x, edge_index, W_l, W_r, b):
    # SAGEConv (mean aggregation): out = lin_l(mean_{j in N(i)} x_j) + lin_r(x_i)
    src = edge_index[0]
    dst = edge_index[1]
    msgs = jnp.take(x, src, axis=0)                       # gather source features [E, d]
    agg = jax.ops.segment_sum(msgs, dst, num_segments=x.shape[0])
    cnt = jax.ops.segment_sum(jnp.ones((msgs.shape[0], 1), jnp.float32), dst, num_segments=x.shape[0])
    mean = agg / jnp.maximum(cnt, 1.0)                    # mean aggregation (safe for isolated nodes)
    return mean @ W_l.T + x @ W_r.T + b


def reference(x, edge_index, W1_l, W1_r, b1, W2_l, W2_r, b2):
    h = _sage_conv(x, edge_index, W1_l, W1_r, b1)
    h = jax.nn.relu(h)
    out = _sage_conv(h, edge_index, W2_l, W2_r, b2)
    return out

if __name__ == "__main__":
    import jax
    _d = setup_inputs()
    print(jax.jit(kernel)(*tuple(_d.values())))

</pallas_src>

<mosaic_0001>
#map = affine_map<(d0, d1) -> (0, 0)>
#map1 = affine_map<(d0, d1) -> (0)>
#map2 = affine_map<(d0, d1) -> (0, 0, 0)>
module attributes {stable_mosaic.version = 14 : i64} {
  func.func @k(%arg0: i32, %arg1: i32, %arg2: memref<10240x128xf32, #tpu.memory_space<hbm>>, %arg3: memref<323584xi32, #tpu.memory_space<hbm>>, %arg4: memref<323584xi32, #tpu.memory_space<hbm>>, %arg5: memref<640x128xf32, #tpu.memory_space<hbm>>, %arg6: memref<2x10240x128xf32, #tpu.memory_space<hbm>>, %arg7: memref<10240x128xf32, #tpu.memory_space<vmem_shared>>, %arg8: memref<128xi32, #tpu.memory_space<vmem>>, %arg9: memref<128x128xf32, #tpu.memory_space<vmem>>, %arg10: memref<!tpu.dma_semaphore, #tpu.memory_space<semaphore_mem>>, %arg11: memref<128xi32, #tpu.memory_space<vmem>>) attributes {dimension_semantics = [#tpu.dimension_semantics<core_parallel>, #tpu.dimension_semantics<subcore_parallel>], iteration_bounds = array<i64: 2, 16>, scalar_prefetch = 0 : i64, scratch_operands = 5 : i64, tpu.core_type = #tpu.core_type<sc_vector_subcore>, window_params = [{transform_indices = #map}, {transform_indices = #map1}, {transform_indices = #map1}, {transform_indices = #map}, {transform_indices = #map2}]} {
    %mul3A = arith.constant 2 : i32
    %mul3A_0 = arith.muli %arg1, %mul3A : i32
    %add3A = arith.addi %mul3A_0, %arg0 : i32
    %mul3A_1 = arith.constant 640 : i32
    %mul3A_2 = arith.muli %arg1, %mul3A_1 : i32
    "tpu.region"() ({
      %run_scoped3A = tpu.sem_alloc : memref<!tpu.dma_semaphore, #tpu.memory_space<semaphore_mem>>
      %dma_start3A = arith.constant 0 : i32
      %dma_start3A_8 = tpu.memref_slice %arg7[%mul3A_2, %dma_start3A] : memref<10240x128xf32, #tpu.memory_space<vmem_shared>> -> memref<640x128xf32, #tpu.memory_space<vmem_shared>>
      tpu.enqueue_dma source(%arg5 : memref<640x128xf32, #tpu.memory_space<hbm>>) target(%dma_start3A_8 : memref<640x128xf32, #tpu.memory_space<vmem_shared>>) target_semaphore(%run_scoped3A : memref<!tpu.dma_semaphore, #tpu.memory_space<semaphore_mem>>)
      %dma_wait3A = arith.constant 0 : i32
      %dma_wait3A_9 = tpu.memref_slice %arg7[%mul3A_2, %dma_wait3A] : memref<10240x128xf32, #tpu.memory_space<vmem_shared>> -> memref<640x128xf32, #tpu.memory_space<vmem_shared>>
      tpu.wait_dma2 semaphore(%run_scoped3A : memref<!tpu.dma_semaphore, #tpu.memory_space<semaphore_mem>>) src(%arg5 : memref<640x128xf32, #tpu.memory_space<hbm>>) dst(%dma_wait3A_9 : memref<640x128xf32, #tpu.memory_space<vmem_shared>>)
      tpu.yield
    }) : () -> ()
    %barrier3A = arith.constant 0 : index
    tpu.barrier barrier_id(%barrier3A)
    %scan3A = arith.constant 0 : i32
    %scan3A_3 = arith.constant 79 : i32
    %scan3A_4 = arith.addi %scan3A, %scan3A_3 : i32
    %scan3A_5 = arith.constant 1 : i32
    scf.for %scan3A_8 = %scan3A to %scan3A_4 step %scan3A_5  : i32 {
      %mul3A_9 = arith.constant 1 : i32
      %mul3A_10 = arith.muli %scan3A_8, %mul3A_9 : i32
      %add3A_11 = arith.constant 0 : i32
      %add3A_12 = arith.addi %add3A_11, %mul3A_10 : i32
      %mul3A_13 = arith.constant 79 : i32
      %mul3A_14 = arith.muli %add3A, %mul3A_13 : i32
      %add3A_15 = arith.addi %mul3A_14, %add3A_12 : i32
      %mul3A_16 = arith.constant 128 : i32
      %mul3A_17 = arith.muli %add3A_15, %mul3A_16 : i32
      "tpu.region"() ({
        %run_scoped3A = tpu.sem_alloc : memref<!tpu.dma_semaphore, #tpu.memory_space<semaphore_mem>>
        %dma_start3A_22 = tpu.memref_slice %arg3[%mul3A_17] : memref<323584xi32, #tpu.memory_space<hbm>> -> memref<128xi32, #tpu.memory_space<hbm>>
        %dma_start3A_23 = tpu.memref_slice %arg3[%mul3A_17] : memref<323584xi32, #tpu.memory_space<hbm>> -> memref<128xi32, #tpu.memory_space<hbm>>
        tpu.enqueue_dma source(%dma_start3A_23 : memref<128xi32, #tpu.memory_space<hbm>>) target(%arg11 : memref<128xi32, #tpu.memory_space<vmem>>) target_semaphore(%run_scoped3A : memref<!tpu.dma_semaphore, #tpu.memory_space<semaphore_mem>>)
        %dma_wait3A_24 = tpu.memref_slice %arg3[%mul3A_17] : memref<323584xi32, #tpu.memory_space<hbm>> -> memref<128xi32, #tpu.memory_space<hbm>>
        %dma_wait3A_25 = tpu.memref_slice %arg3[%mul3A_17] : memref<323584xi32, #tpu.memory_space<hbm>> -> memref<128xi32, #tpu.memory_space<hbm>>
        tpu.wait_dma2 semaphore(%run_scoped3A : memref<!tpu.dma_semaphore, #tpu.memory_space<semaphore_mem>>) src(%dma_wait3A_25 : memref<128xi32, #tpu.memory_space<hbm>>) dst(%arg11 : memref<128xi32, #tpu.memory_space<vmem>>)
        tpu.yield
      }) : () -> ()
      "tpu.region"() ({
        %run_scoped3A = tpu.sem_alloc : memref<!tpu.dma_semaphore, #tpu.memory_space<semaphore_mem>>
        %dma_start3A_22 = tpu.memref_slice %arg4[%mul3A_17] : memref<323584xi32, #tpu.memory_space<hbm>> -> memref<128xi32, #tpu.memory_space<hbm>>
        %dma_start3A_23 = tpu.memref_slice %arg4[%mul3A_17] : memref<323584xi32, #tpu.memory_space<hbm>> -> memref<128xi32, #tpu.memory_space<hbm>>
        tpu.enqueue_dma source(%dma_start3A_23 : memref<128xi32, #tpu.memory_space<hbm>>) target(%arg8 : memref<128xi32, #tpu.memory_space<vmem>>) target_semaphore(%run_scoped3A : memref<!tpu.dma_semaphore, #tpu.memory_space<semaphore_mem>>)
        %dma_wait3A_24 = tpu.memref_slice %arg4[%mul3A_17] : memref<323584xi32, #tpu.memory_space<hbm>> -> memref<128xi32, #tpu.memory_space<hbm>>
        %dma_wait3A_25 = tpu.memref_slice %arg4[%mul3A_17] : memref<323584xi32, #tpu.memory_space<hbm>> -> memref<128xi32, #tpu.memory_space<hbm>>
        tpu.wait_dma2 semaphore(%run_scoped3A : memref<!tpu.dma_semaphore, #tpu.memory_space<semaphore_mem>>) src(%dma_wait3A_25 : memref<128xi32, #tpu.memory_space<hbm>>) dst(%arg8 : memref<128xi32, #tpu.memory_space<vmem>>)
        tpu.yield
      }) : () -> ()
      %dma_start3A = arith.constant 0 : i32
      %dma_start3A_18 = arith.constant 0 : i32
      %dma_start3A_19 = tpu.memref_slice %arg2[%dma_start3A, %dma_start3A_18] : memref<10240x128xf32, #tpu.memory_space<hbm>> -> memref<10240x128xf32, #tpu.memory_space<hbm>>
      tpu.enqueue_indirect_dma source(%dma_start3A_19 : memref<10240x128xf32, #tpu.memory_space<hbm>>) target(%arg9 : memref<128x128xf32, #tpu.memory_space<vmem>>) offsets(%arg11 : memref<128xi32, #tpu.memory_space<vmem>>) semaphore(%arg10 : memref<!tpu.dma_semaphore, #tpu.memory_space<semaphore_mem>>)
      %dma_wait3A = arith.constant 0 : i32
      %dma_wait3A_20 = arith.constant 0 : i32
      %dma_wait3A_21 = tpu.memref_slice %arg2[%dma_wait3A, %dma_wait3A_20] : memref<10240x128xf32, #tpu.memory_space<hbm>> -> memref<10240x128xf32, #tpu.memory_space<hbm>>
      tpu.wait_indirect_dma semaphore(%arg10 : memref<!tpu.dma_semaphore, #tpu.memory_space<semaphore_mem>>) src(%dma_wait3A_21 : memref<10240x128xf32, #tpu.memory_space<hbm>>) dst(%arg9 : memref<128x128xf32, #tpu.memory_space<vmem>>)
      "tpu.region"() ({
        %run_scoped3A = tpu.sem_alloc : memref<!tpu.dma_semaphore, #tpu.memory_space<semaphore_mem>>
        %dma_start3A_22 = arith.constant 0 : i32
        %dma_start3A_23 = arith.constant 0 : i32
        %dma_start3A_24 = tpu.memref_slice %arg7[%dma_start3A_22, %dma_start3A_23] : memref<10240x128xf32, #tpu.memory_space<vmem_shared>> -> memref<10240x128xf32, #tpu.memory_space<vmem_shared>>
        tpu.enqueue_indirect_dma source(%arg9 : memref<128x128xf32, #tpu.memory_space<vmem>>) target(%dma_start3A_24 : memref<10240x128xf32, #tpu.memory_space<vmem_shared>>) offsets(%arg8 : memref<128xi32, #tpu.memory_space<vmem>>) semaphore(%run_scoped3A : memref<!tpu.dma_semaphore, #tpu.memory_space<semaphore_mem>>) {add = true}
        %dma_wait3A_25 = arith.constant 0 : i32
        %dma_wait3A_26 = arith.constant 0 : i32
        %dma_wait3A_27 = tpu.memref_slice %arg7[%dma_wait3A_25, %dma_wait3A_26] : memref<10240x128xf32, #tpu.memory_space<vmem_shared>> -> memref<10240x128xf32, #tpu.memory_space<vmem_shared>>
        tpu.wait_indirect_dma semaphore(%run_scoped3A : memref<!tpu.dma_semaphore, #tpu.memory_space<semaphore_mem>>) src(%arg9 : memref<128x128xf32, #tpu.memory_space<vmem>>) dst(%dma_wait3A_27 : memref<10240x128xf32, #tpu.memory_space<vmem_shared>>)
        tpu.yield
      }) : () -> ()
    }
    %scan3A_6 = arith.constant 79 : i32
    %barrier3A_7 = arith.constant 0 : index
    tpu.barrier barrier_id(%barrier3A_7)
    "tpu.region"() ({
      %run_scoped3A = tpu.sem_alloc : memref<!tpu.dma_semaphore, #tpu.memory_space<semaphore_mem>>
      %dma_start3A = arith.constant 0 : i32
      %dma_start3A_8 = tpu.memref_slice %arg6[%arg0, %mul3A_2, %dma_start3A] : memref<2x10240x128xf32, #tpu.memory_space<hbm>> -> memref<1x640x128xf32, #tpu.memory_space<hbm>>
      %dma_start3A_9 = tpu.memref_squeeze %dma_start3A_8 : memref<1x640x128xf32, #tpu.memory_space<hbm>> -> memref<640x128xf32, #tpu.memory_space<hbm>>
      %dma_start3A_10 = arith.constant 0 : i32
      %dma_start3A_11 = tpu.memref_slice %arg7[%mul3A_2, %dma_start3A_10] : memref<10240x128xf32, #tpu.memory_space<vmem_shared>> -> memref<640x128xf32, #tpu.memory_space<vmem_shared>>
      tpu.enqueue_dma source(%dma_start3A_11 : memref<640x128xf32, #tpu.memory_space<vmem_shared>>) target(%dma_start3A_9 : memref<640x128xf32, #tpu.memory_space<hbm>>) target_semaphore(%run_scoped3A : memref<!tpu.dma_semaphore, #tpu.memory_space<semaphore_mem>>)
      %dma_wait3A = arith.constant 0 : i32
      %dma_wait3A_12 = tpu.memref_slice %arg6[%arg0, %mul3A_2, %dma_wait3A] : memref<2x10240x128xf32, #tpu.memory_space<hbm>> -> memref<1x640x128xf32, #tpu.memory_space<hbm>>
      %dma_wait3A_13 = tpu.memref_squeeze %dma_wait3A_12 : memref<1x640x128xf32, #tpu.memory_space<hbm>> -> memref<640x128xf32, #tpu.memory_space<hbm>>
      %dma_wait3A_14 = arith.constant 0 : i32
      %dma_wait3A_15 = tpu.memref_slice %arg7[%mul3A_2, %dma_wait3A_14] : memref<10240x128xf32, #tpu.memory_space<vmem_shared>> -> memref<640x128xf32, #tpu.memory_space<vmem_shared>>
      tpu.wait_dma2 semaphore(%run_scoped3A : memref<!tpu.dma_semaphore, #tpu.memory_space<semaphore_mem>>) src(%dma_wait3A_15 : memref<640x128xf32, #tpu.memory_space<vmem_shared>>) dst(%dma_wait3A_13 : memref<640x128xf32, #tpu.memory_space<hbm>>)
      tpu.yield
    }) : () -> ()
    return
  }
}

#map = affine_map<(d0, d1) -> (0, 0)>
#map1 = affine_map<(d0, d1) -> (0)>
#map2 = affine_map<(d0, d1) -> (0, 0, 0)>
module attributes {stable_mosaic.version = 14 : i64} {
  func.func @k(%arg0: i32, %arg1: i32, %arg2: memref<10240x128xf32, #tpu.memory_space<hbm>>, %arg3: memref<323584xi32, #tpu.memory_space<hbm>>, %arg4: memref<323584xi32, #tpu.memory_space<hbm>>, %arg5: memref<640x128xf32, #tpu.memory_space<hbm>>, %arg6: memref<2x10240x128xf32, #tpu.memory_space<hbm>>, %arg7: memref<20480xf32, #tpu.memory_space<hbm>>, %arg8: memref<10240x128xf32, #tpu.memory_space<vmem_shared>>, %arg9: memref<10240xf32, #tpu.memory_space<vmem_shared>>, %arg10: memref<128xi32, #tpu.memory_space<vmem>>, %arg11: memref<128xf32, #tpu.memory_space<vmem>>, %arg12: memref<128x128xf32, #tpu.memory_space<vmem>>, %arg13: memref<!tpu.dma_semaphore, #tpu.memory_space<semaphore_mem>>, %arg14: memref<128xi32, #tpu.memory_space<vmem>>, %arg15: memref<640xf32, #tpu.memory_space<vmem>>) attributes {dimension_semantics = [#tpu.dimension_semantics<core_parallel>, #tpu.dimension_semantics<subcore_parallel>], iteration_bounds = array<i64: 2, 16>, scalar_prefetch = 0 : i64, scratch_operands = 8 : i64, tpu.core_type = #tpu.core_type<sc_vector_subcore>, window_params = [{transform_indices = #map}, {transform_indices = #map1}, {transform_indices = #map1}, {transform_indices = #map}, {transform_indices = #map2}, {transform_indices = #map1}]} {
    %mul3A = arith.constant 2 : i32
    %mul3A_0 = arith.muli %arg1, %mul3A : i32
    %add3A = arith.addi %mul3A_0, %arg0 : i32
    %mul3A_1 = arith.constant 640 : i32
    %mul3A_2 = arith.muli %arg1, %mul3A_1 : i32
    "tpu.region"() ({
      %run_scoped3A = tpu.sem_alloc : memref<!tpu.dma_semaphore, #tpu.memory_space<semaphore_mem>>
      %dma_start3A = arith.constant 0 : i32
      %dma_start3A_24 = tpu.memref_slice %arg8[%mul3A_2, %dma_start3A] : memref<10240x128xf32, #tpu.memory_space<vmem_shared>> -> memref<640x128xf32, #tpu.memory_space<vmem_shared>>
      tpu.enqueue_dma source(%arg5 : memref<640x128xf32, #tpu.memory_space<hbm>>) target(%dma_start3A_24 : memref<640x128xf32, #tpu.memory_space<vmem_shared>>) target_semaphore(%run_scoped3A : memref<!tpu.dma_semaphore, #tpu.memory_space<semaphore_mem>>)
      %dma_wait3A = arith.constant 0 : i32
      %dma_wait3A_25 = tpu.memref_slice %arg8[%mul3A_2, %dma_wait3A] : memref<10240x128xf32, #tpu.memory_space<vmem_shared>> -> memref<640x128xf32, #tpu.memory_space<vmem_shared>>
      tpu.wait_dma2 semaphore(%run_scoped3A : memref<!tpu.dma_semaphore, #tpu.memory_space<semaphore_mem>>) src(%arg5 : memref<640x128xf32, #tpu.memory_space<hbm>>) dst(%dma_wait3A_25 : memref<640x128xf32, #tpu.memory_space<vmem_shared>>)
      tpu.yield
    }) : () -> ()
    %broadcast_in_dim3A = arith.constant 1.000000e+00 : f32
    %broadcast_in_dim3A_3 = vector.broadcast %broadcast_in_dim3A : f32 to vector<16xf32>
    %broadcast_in_dim3A_4 = arith.constant 0.000000e+00 : f32
    %broadcast_in_dim3A_5 = vector.broadcast %broadcast_in_dim3A_4 : f32 to vector<16xf32>
    %scan3A = arith.constant 0 : i32
    %scan3A_6 = arith.constant 8 : i32
    %scan3A_7 = arith.addi %scan3A, %scan3A_6 : i32
    %scan3A_8 = arith.constant 1 : i32
    scf.for %scan3A_24 = %scan3A to %scan3A_7 step %scan3A_8  : i32 {
      %mul3A_25 = arith.constant 1 : i32
      %mul3A_26 = arith.muli %scan3A_24, %mul3A_25 : i32
      %add3A_27 = arith.constant 0 : i32
      %add3A_28 = arith.addi %add3A_27, %mul3A_26 : i32
      %mul3A_29 = arith.constant 16 : i32
      %mul3A_30 = arith.muli %add3A_28, %mul3A_29 : i32
      %swap3A = arith.index_cast %mul3A_30 : i32 to index
      %swap3A_31 = tpu.vector_load %arg11[%swap3A] {strides = array<i32>} : memref<128xf32, #tpu.memory_space<vmem>>, vector<16xf32>,
      %swap3A_32 = vector.shape_cast %swap3A_31 : vector<16xf32> to vector<16xf32>
      %swap3A_33 = vector.shape_cast %broadcast_in_dim3A_3 : vector<16xf32> to vector<16xf32>
      tpu.vector_store %arg11[%swap3A], %swap3A_33 {strides = array<i32>} : memref<128xf32, #tpu.memory_space<vmem>>, vector<16xf32>,
    }
    %scan3A_9 = arith.constant 8 : i32
    %scan3A_10 = arith.constant 0 : i32
    %scan3A_11 = arith.constant 40 : i32
    %scan3A_12 = arith.addi %scan3A_10, %scan3A_11 : i32
    %scan3A_13 = arith.constant 1 : i32
    scf.for %scan3A_24 = %scan3A_10 to %scan3A_12 step %scan3A_13  : i32 {
      %mul3A_25 = arith.constant 1 : i32
      %mul3A_26 = arith.muli %scan3A_24, %mul3A_25 : i32
      %add3A_27 = arith.constant 0 : i32
      %add3A_28 = arith.addi %add3A_27, %mul3A_26 : i32
      %mul3A_29 = arith.constant 16 : i32
      %mul3A_30 = arith.muli %add3A_28, %mul3A_29 : i32
      %swap3A = arith.index_cast %mul3A_30 : i32 to index
      %swap3A_31 = tpu.vector_load %arg15[%swap3A] {strides = array<i32>} : memref<640xf32, #tpu.memory_space<vmem>>, vector<16xf32>,
      %swap3A_32 = vector.shape_cast %swap3A_31 : vector<16xf32> to vector<16xf32>
      %swap3A_33 = vector.shape_cast %broadcast_in_dim3A_5 : vector<16xf32> to vector<16xf32>
      tpu.vector_store %arg15[%swap3A], %swap3A_33 {strides = array<i32>} : memref<640xf32, #tpu.memory_space<vmem>>, vector<16xf32>,
    }
    %scan3A_14 = arith.constant 40 : i32
    "tpu.region"() ({
      %run_scoped3A = tpu.sem_alloc : memref<!tpu.dma_semaphore, #tpu.memory_space<semaphore_mem>>
      %dma_start3A = tpu.memref_slice %arg9[%mul3A_2] : memref<10240xf32, #tpu.memory_space<vmem_shared>> -> memref<640xf32, #tpu.memory_space<vmem_shared>>
      %dma_start3A_24 = tpu.memref_slice %arg9[%mul3A_2] : memref<10240xf32, #tpu.memory_space<vmem_shared>> -> memref<640xf32, #tpu.memory_space<vmem_shared>>
      tpu.enqueue_dma source(%arg15 : memref<640xf32, #tpu.memory_space<vmem>>) target(%dma_start3A_24 : memref<640xf32, #tpu.memory_space<vmem_shared>>) target_semaphore(%run_scoped3A : memref<!tpu.dma_semaphore, #tpu.memory_space<semaphore_mem>>)
      %dma_wait3A = tpu.memref_slice %arg9[%mul3A_2] : memref<10240xf32, #tpu.memory_space<vmem_shared>> -> memref<640xf32, #tpu.memory_space<vmem_shared>>
      %dma_wait3A_25 = tpu.memref_slice %arg9[%mul3A_2] : memref<10240xf32, #tpu.memory_space<vmem_shared>> -> memref<640xf32, #tpu.memory_space<vmem_shared>>
      tpu.wait_dma2 semaphore(%run_scoped3A : memref<!tpu.dma_semaphore, #tpu.memory_space<semaphore_mem>>) src(%arg15 : memref<640xf32, #tpu.memory_space<vmem>>) dst(%dma_wait3A_25 : memref<640xf32, #tpu.memory_space<vmem_shared>>)
      tpu.yield
    }) : () -> ()
    %barrier3A = arith.constant 0 : index
    tpu.barrier barrier_id(%barrier3A)
    %scan3A_15 = arith.constant 0 : i32
    %scan3A_16 = arith.constant 79 : i32
    %scan3A_17 = arith.addi %scan3A_15, %scan3A_16 : i32
    %scan3A_18 = arith.constant 1 : i32
    scf.for %scan3A_24 = %scan3A_15 to %scan3A_17 step %scan3A_18  : i32 {
      %mul3A_25 = arith.constant 1 : i32
      %mul3A_26 = arith.muli %scan3A_24, %mul3A_25 : i32
      %add3A_27 = arith.constant 0 : i32
      %add3A_28 = arith.addi %add3A_27, %mul3A_26 : i32
      %mul3A_29 = arith.constant 79 : i32
      %mul3A_30 = arith.muli %add3A, %mul3A_29 : i32
      %add3A_31 = arith.addi %mul3A_30, %add3A_28 : i32
      %mul3A_32 = arith.constant 128 : i32
      %mul3A_33 = arith.muli %add3A_31, %mul3A_32 : i32
      "tpu.region"() ({
        %run_scoped3A = tpu.sem_alloc : memref<!tpu.dma_semaphore, #tpu.memory_space<semaphore_mem>>
        %dma_start3A_38 = tpu.memref_slice %arg3[%mul3A_33] : memref<323584xi32, #tpu.memory_space<hbm>> -> memref<128xi32, #tpu.memory_space<hbm>>
        %dma_start3A_39 = tpu.memref_slice %arg3[%mul3A_33] : memref<323584xi32, #tpu.memory_space<hbm>> -> memref<128xi32, #tpu.memory_space<hbm>>
        tpu.enqueue_dma source(%dma_start3A_39 : memref<128xi32, #tpu.memory_space<hbm>>) target(%arg14 : memref<128xi32, #tpu.memory_space<vmem>>) target_semaphore(%run_scoped3A : memref<!tpu.dma_semaphore, #tpu.memory_space<semaphore_mem>>)
        %dma_wait3A_40 = tpu.memref_slice %arg3[%mul3A_33] : memref<323584xi32, #tpu.memory_space<hbm>> -> memref<128xi32, #tpu.memory_space<hbm>>
        %dma_wait3A_41 = tpu.memref_slice %arg3[%mul3A_33] : memref<323584xi32, #tpu.memory_space<hbm>> -> memref<128xi32, #tpu.memory_space<hbm>>
        tpu.wait_dma2 semaphore(%run_scoped3A : memref<!tpu.dma_semaphore, #tpu.memory_space<semaphore_mem>>) src(%dma_wait3A_41 : memref<128xi32, #tpu.memory_space<hbm>>) dst(%arg14 : memref<128xi32, #tpu.memory_space<vmem>>)
        tpu.yield
      }) : () -> ()
      "tpu.region"() ({
        %run_scoped3A = tpu.sem_alloc : memref<!tpu.dma_semaphore, #tpu.memory_space<semaphore_mem>>
        %dma_start3A_38 = tpu.memref_slice %arg4[%mul3A_33] : memref<323584xi32, #tpu.memory_space<hbm>> -> memref<128xi32, #tpu.memory_space<hbm>>
        %dma_start3A_39 = tpu.memref_slice %arg4[%mul3A_33] : memref<323584xi32, #tpu.memory_space<hbm>> -> memref<128xi32, #tpu.memory_space<hbm>>
        tpu.enqueue_dma source(%dma_start3A_39 : memref<128xi32, #tpu.memory_space<hbm>>) target(%arg10 : memref<128xi32, #tpu.memory_space<vmem>>) target_semaphore(%run_scoped3A : memref<!tpu.dma_semaphore, #tpu.memory_space<semaphore_mem>>)
        %dma_wait3A_40 = tpu.memref_slice %arg4[%mul3A_33] : memref<323584xi32, #tpu.memory_space<hbm>> -> memref<128xi32, #tpu.memory_space<hbm>>
        %dma_wait3A_41 = tpu.memref_slice %arg4[%mul3A_33] : memref<323584xi32, #tpu.memory_space<hbm>> -> memref<128xi32, #tpu.memory_space<hbm>>
        tpu.wait_dma2 semaphore(%run_scoped3A : memref<!tpu.dma_semaphore, #tpu.memory_space<semaphore_mem>>) src(%dma_wait3A_41 : memref<128xi32, #tpu.memory_space<hbm>>) dst(%arg10 : memref<128xi32, #tpu.memory_space<vmem>>)
        tpu.yield
      }) : () -> ()
      %dma_start3A = arith.constant 0 : i32
      %dma_start3A_34 = arith.constant 0 : i32
      %dma_start3A_35 = tpu.memref_slice %arg2[%dma_start3A, %dma_start3A_34] : memref<10240x128xf32, #tpu.memory_space<hbm>> -> memref<10240x128xf32, #tpu.memory_space<hbm>>
      tpu.enqueue_indirect_dma source(%dma_start3A_35 : memref<10240x128xf32, #tpu.memory_space<hbm>>) target(%arg12 : memref<128x128xf32, #tpu.memory_space<vmem>>) offsets(%arg14 : memref<128xi32, #tpu.memory_space<vmem>>) semaphore(%arg13 : memref<!tpu.dma_semaphore, #tpu.memory_space<semaphore_mem>>)
      %dma_wait3A = arith.constant 0 : i32
      %dma_wait3A_36 = arith.constant 0 : i32
      %dma_wait3A_37 = tpu.memref_slice %arg2[%dma_wait3A, %dma_wait3A_36] : memref<10240x128xf32, #tpu.memory_space<hbm>> -> memref<10240x128xf32, #tpu.memory_space<hbm>>
      tpu.wait_indirect_dma semaphore(%arg13 : memref<!tpu.dma_semaphore, #tpu.memory_space<semaphore_mem>>) src(%dma_wait3A_37 : memref<10240x128xf32, #tpu.memory_space<hbm>>) dst(%arg12 : memref<128x128xf32, #tpu.memory_space<vmem>>)
      "tpu.region"() ({
        %run_scoped3A = tpu.sem_alloc : memref<!tpu.dma_semaphore, #tpu.memory_space<semaphore_mem>>
        %dma_start3A_38 = arith.constant 0 : i32
        %dma_start3A_39 = arith.constant 0 : i32
        %dma_start3A_40 = tpu.memref_slice %arg8[%dma_start3A_38, %dma_start3A_39] : memref<10240x128xf32, #tpu.memory_space<vmem_shared>> -> memref<10240x128xf32, #tpu.memory_space<vmem_shared>>
        tpu.enqueue_indirect_dma source(%arg12 : memref<128x128xf32, #tpu.memory_space<vmem>>) target(%dma_start3A_40 : memref<10240x128xf32, #tpu.memory_space<vmem_shared>>) offsets(%arg10 : memref<128xi32, #tpu.memory_space<vmem>>) semaphore(%run_scoped3A : memref<!tpu.dma_semaphore, #tpu.memory_space<semaphore_mem>>) {add = true}
        %dma_wait3A_41 = arith.constant 0 : i32
        %dma_wait3A_42 = arith.constant 0 : i32
        %dma_wait3A_43 = tpu.memref_slice %arg8[%dma_wait3A_41, %dma_wait3A_42] : memref<10240x128xf32, #tpu.memory_space<vmem_shared>> -> memref<10240x128xf32, #tpu.memory_space<vmem_shared>>
        tpu.wait_indirect_dma semaphore(%run_scoped3A : memref<!tpu.dma_semaphore, #tpu.memory_space<semaphore_mem>>) src(%arg12 : memref<128x128xf32, #tpu.memory_space<vmem>>) dst(%dma_wait3A_43 : memref<10240x128xf32, #tpu.memory_space<vmem_shared>>)
        tpu.yield
      }) : () -> ()
      "tpu.region"() ({
        %run_scoped3A = tpu.sem_alloc : memref<!tpu.dma_semaphore, #tpu.memory_space<semaphore_mem>>
        %dma_start3A_38 = arith.constant 0 : i32
        %dma_start3A_39 = tpu.memref_slice %arg9[%dma_start3A_38] : memref<10240xf32, #tpu.memory_space<vmem_shared>> -> memref<10240xf32, #tpu.memory_space<vmem_shared>>
        tpu.enqueue_indirect_dma source(%arg11 : memref<128xf32, #tpu.memory_space<vmem>>) target(%dma_start3A_39 : memref<10240xf32, #tpu.memory_space<vmem_shared>>) offsets(%arg10 : memref<128xi32, #tpu.memory_space<vmem>>) semaphore(%run_scoped3A : memref<!tpu.dma_semaphore, #tpu.memory_space<semaphore_mem>>) {add = true}
        %dma_wait3A_40 = arith.constant 0 : i32
        %dma_wait3A_41 = tpu.memref_slice %arg9[%dma_wait3A_40] : memref<10240xf32, #tpu.memory_space<vmem_shared>> -> memref<10240xf32, #tpu.memory_space<vmem_shared>>
        tpu.wait_indirect_dma semaphore(%run_scoped3A : memref<!tpu.dma_semaphore, #tpu.memory_space<semaphore_mem>>) src(%arg11 : memref<128xf32, #tpu.memory_space<vmem>>) dst(%dma_wait3A_41 : memref<10240xf32, #tpu.memory_space<vmem_shared>>)
        tpu.yield
      }) : () -> ()
    }
    %scan3A_19 = arith.constant 79 : i32
    %barrier3A_20 = arith.constant 0 : index
    tpu.barrier barrier_id(%barrier3A_20)
    "tpu.region"() ({
      %run_scoped3A = tpu.sem_alloc : memref<!tpu.dma_semaphore, #tpu.memory_space<semaphore_mem>>
      %dma_start3A = arith.constant 0 : i32
      %dma_start3A_24 = tpu.memref_slice %arg6[%arg0, %mul3A_2, %dma_start3A] : memref<2x10240x128xf32, #tpu.memory_space<hbm>> -> memref<1x640x128xf32, #tpu.memory_space<hbm>>
      %dma_start3A_25 = tpu.memref_squeeze %dma_start3A_24 : memref<1x640x128xf32, #tpu.memory_space<hbm>> -> memref<640x128xf32, #tpu.memory_space<hbm>>
      %dma_start3A_26 = arith.constant 0 : i32
      %dma_start3A_27 = tpu.memref_slice %arg8[%mul3A_2, %dma_start3A_26] : memref<10240x128xf32, #tpu.memory_space<vmem_shared>> -> memref<640x128xf32, #tpu.memory_space<vmem_shared>>
      tpu.enqueue_dma source(%dma_start3A_27 : memref<640x128xf32, #tpu.memory_space<vmem_shared>>) target(%dma_start3A_25 : memref<640x128xf32, #tpu.memory_space<hbm>>) target_semaphore(%run_scoped3A : memref<!tpu.dma_semaphore, #tpu.memory_space<semaphore_mem>>)
      %dma_wait3A = arith.constant 0 : i32
      %dma_wait3A_28 = tpu.memref_slice %arg6[%arg0, %mul3A_2, %dma_wait3A] : memref<2x10240x128xf32, #tpu.memory_space<hbm>> -> memref<1x640x128xf32, #tpu.memory_space<hbm>>
      %dma_wait3A_29 = tpu.memref_squeeze %dma_wait3A_28 : memref<1x640x128xf32, #tpu.memory_space<hbm>> -> memref<640x128xf32, #tpu.memory_space<hbm>>
      %dma_wait3A_30 = arith.constant 0 : i32
      %dma_wait3A_31 = tpu.memref_slice %arg8[%mul3A_2, %dma_wait3A_30] : memref<10240x128xf32, #tpu.memory_space<vmem_shared>> -> memref<640x128xf32, #tpu.memory_space<vmem_shared>>
      tpu.wait_dma2 semaphore(%run_scoped3A : memref<!tpu.dma_semaphore, #tpu.memory_space<semaphore_mem>>) src(%dma_wait3A_31 : memref<640x128xf32, #tpu.memory_space<vmem_shared>>) dst(%dma_wait3A_29 : memref<640x128xf32, #tpu.memory_space<hbm>>)
      tpu.yield
    }) : () -> ()
    "tpu.region"() ({
      %run_scoped3A = tpu.sem_alloc : memref<!tpu.dma_semaphore, #tpu.memory_space<semaphore_mem>>
      %dma_start3A = tpu.memref_slice %arg9[%mul3A_2] : memref<10240xf32, #tpu.memory_space<vmem_shared>> -> memref<640xf32, #tpu.memory_space<vmem_shared>>
      %dma_start3A_24 = tpu.memref_slice %arg9[%mul3A_2] : memref<10240xf32, #tpu.memory_space<vmem_shared>> -> memref<640xf32, #tpu.memory_space<vmem_shared>>
      tpu.enqueue_dma source(%dma_start3A_24 : memref<640xf32, #tpu.memory_space<vmem_shared>>) target(%arg15 : memref<640xf32, #tpu.memory_space<vmem>>) target_semaphore(%run_scoped3A : memref<!tpu.dma_semaphore, #tpu.memory_space<semaphore_mem>>)
      %dma_wait3A = tpu.memref_slice %arg9[%mul3A_2] : memref<10240xf32, #tpu.memory_space<vmem_shared>> -> memref<640xf32, #tpu.memory_space<vmem_shared>>
      %dma_wait3A_25 = tpu.memref_slice %arg9[%mul3A_2] : memref<10240xf32, #tpu.memory_space<vmem_shared>> -> memref<640xf32, #tpu.memory_space<vmem_shared>>
      tpu.wait_dma2 semaphore(%run_scoped3A : memref<!tpu.dma_semaphore, #tpu.memory_space<semaphore_mem>>) src(%dma_wait3A_25 : memref<640xf32, #tpu.memory_space<vmem_shared>>) dst(%arg15 : memref<640xf32, #tpu.memory_space<vmem>>)
      tpu.yield
    }) : () -> ()
    %mul3A_21 = arith.constant 10240 : i32
    %mul3A_22 = arith.muli %arg0, %mul3A_21 : i32
    %add3A_23 = arith.addi %mul3A_22, %mul3A_2 : i32
    "tpu.region"() ({
      %run_scoped3A = tpu.sem_alloc : memref<!tpu.dma_semaphore, #tpu.memory_space<semaphore_mem>>
      %dma_start3A = tpu.memref_slice %arg7[%add3A_23] : memref<20480xf32, #tpu.memory_space<hbm>> -> memref<640xf32, #tpu.memory_space<hbm>>
      %dma_start3A_24 = tpu.memref_slice %arg7[%add3A_23] : memref<20480xf32, #tpu.memory_space<hbm>> -> memref<640xf32, #tpu.memory_space<hbm>>
      tpu.enqueue_dma source(%arg15 : memref<640xf32, #tpu.memory_space<vmem>>) target(%dma_start3A_24 : memref<640xf32, #tpu.memory_space<hbm>>) target_semaphore(%run_scoped3A : memref<!tpu.dma_semaphore, #tpu.memory_space<semaphore_mem>>)
      %dma_wait3A = tpu.memref_slice %arg7[%add3A_23] : memref<20480xf32, #tpu.memory_space<hbm>> -> memref<640xf32, #tpu.memory_space<hbm>>
      %dma_wait3A_25 = tpu.memref_slice %arg7[%add3A_23] : memref<20480xf32, #tpu.memory_space<hbm>> -> memref<640xf32, #tpu.memory_space<hbm>>
      tpu.wait_dma2 semaphore(%run_scoped3A : memref<!tpu.dma_semaphore, #tpu.memory_space<semaphore_mem>>) src(%arg15 : memref<640xf32, #tpu.memory_space<vmem>>) dst(%dma_wait3A_25 : memref<640xf32, #tpu.memory_space<hbm>>)
      tpu.yield
    }) : () -> ()
    return
  }
}

module attributes {stable_mosaic.version = 14 : i64} {
  func.func @body(%arg0: i32, %arg1: memref<1280x128xf32, #tpu.memory_space<vmem>>, %arg2: memref<128x128xf32, #tpu.memory_space<vmem>>, %arg3: memref<128x128xf32, #tpu.memory_space<vmem>>, %arg4: memref<1x128xf32, #tpu.memory_space<vmem>>, %arg5: memref<1280x128xf32, #tpu.memory_space<vmem>>, %arg6: memref<1280x128xf32, #tpu.memory_space<vmem>>) attributes {dimension_semantics = [#tpu.dimension_semantics<arbitrary>], iteration_bounds = array<i64: 8>, scalar_prefetch = 0 : i64, scratch_operands = 0 : i64, tpu.core_type = #tpu.core_type<tc>, window_params = [{transform_indices = @transform_0, window_bounds = array<i64: 1280, 128>}, {pipeline_mode = #tpu.pipeline_mode<synchronous>, transform_indices = @transform_1, window_bounds = array<i64: 128, 128>}, {pipeline_mode = #tpu.pipeline_mode<synchronous>, transform_indices = @transform_2, window_bounds = array<i64: 128, 128>}, {pipeline_mode = #tpu.pipeline_mode<synchronous>, transform_indices = @transform_3, window_bounds = array<i64: 1, 128>}, {transform_indices = @transform_4, window_bounds = array<i64: 1280, 128>}, {transform_indices = @transform_5, window_bounds = array<i64: 1280, 128>}]} {
    %get3A = arith.constant 0 : index
    %get3A_0 = arith.constant 0 : index
    %get3A_1 = vector.load %arg1[%get3A, %get3A_0] : memref<1280x128xf32, #tpu.memory_space<vmem>>, vector<1280x128xf32>
    %get3A_2 = arith.constant 0 : index
    %get3A_3 = arith.constant 0 : index
    %get3A_4 = vector.load %arg2[%get3A_2, %get3A_3] : memref<128x128xf32, #tpu.memory_space<vmem>>, vector<128x128xf32>
    %dot_general3A = arith.constant dense<0.000000e+00> : vector<1280x128xf32>
    %dot_general3A_5 = tpu.matmul %get3A_1, %get3A_4, %dot_general3A {dimension_numbers = #tpu.dot_dimension_numbers<[1], [1], [0], [0], [0, 0, 1, 0], [], []>, transpose_lhs_hint = false} : vector<1280x128xf32>, vector<128x128xf32>, vector<1280x128xf32> -> vector<1280x128xf32>
    %swap3A = arith.constant 0 : index
    %swap3A_6 = arith.constant 0 : index
    %swap3A_7 = vector.load %arg5[%swap3A, %swap3A_6] : memref<1280x128xf32, #tpu.memory_space<vmem>>, vector<1280x128xf32>
    tpu.vector_store %arg5[%swap3A, %swap3A_6], %dot_general3A_5 {strides = array<i32>} : memref<1280x128xf32, #tpu.memory_space<vmem>>, vector<1280x128xf32>,
    %get3A_8 = arith.constant 0 : index
    %get3A_9 = arith.constant 0 : index
    %get3A_10 = vector.load %arg3[%get3A_8, %get3A_9] : memref<128x128xf32, #tpu.memory_space<vmem>>, vector<128x128xf32>
    %dot_general3A_11 = arith.constant dense<0.000000e+00> : vector<1280x128xf32>
    %dot_general3A_12 = tpu.matmul %get3A_1, %get3A_10, %dot_general3A_11 {dimension_numbers = #tpu.dot_dimension_numbers<[1], [1], [0], [0], [0, 0, 1, 0], [], []>, transpose_lhs_hint = false} : vector<1280x128xf32>, vector<128x128xf32>, vector<1280x128xf32> -> vector<1280x128xf32>
    %get3A_13 = arith.constant 0 : index
    %get3A_14 = arith.constant 0 : index
    %get3A_15 = vector.load %arg4[%get3A_13, %get3A_14] : memref<1x128xf32, #tpu.memory_space<vmem>>, vector<1x128xf32>
    %add3A = vector.broadcast %get3A_15 : vector<1x128xf32> to vector<1280x128xf32>
    %add3A_16 = arith.addf %dot_general3A_12, %add3A : vector<1280x128xf32>
    %swap3A_17 = arith.constant 0 : index
    %swap3A_18 = arith.constant 0 : index
    %swap3A_19 = vector.load %arg6[%swap3A_17, %swap3A_18] : memref<1280x128xf32, #tpu.memory_space<vmem>>, vector<1280x128xf32>
    tpu.vector_store %arg6[%swap3A_17, %swap3A_18], %add3A_16 {strides = array<i32>} : memref<1280x128xf32, #tpu.memory_space<vmem>>, vector<1280x128xf32>,
    return
  }
  func.func @transform_0(%arg0: i32) -> (i32, i32) {
    %c0_i32 = arith.constant 0 : i32
    %c0_i32_0 = arith.constant 0 : i32
    return %arg0, %c0_i32 : i32, i32
  }
  func.func @transform_1(%arg0: i32) -> (i32, i32) {
    %c0_i32 = arith.constant 0 : i32
    %c0_i32_0 = arith.constant 0 : i32
    %c0_i32_1 = arith.constant 0 : i32
    return %c0_i32, %c0_i32_0 : i32, i32
  }
  func.func @transform_2(%arg0: i32) -> (i32, i32) {
    %c0_i32 = arith.constant 0 : i32
    %c0_i32_0 = arith.constant 0 : i32
    %c0_i32_1 = arith.constant 0 : i32
    return %c0_i32, %c0_i32_0 : i32, i32
  }
  func.func @transform_3(%arg0: i32) -> (i32, i32) {
    %c0_i32 = arith.constant 0 : i32
    %c0_i32_0 = arith.constant 0 : i32
    %c0_i32_1 = arith.constant 0 : i32
    return %c0_i32, %c0_i32_0 : i32, i32
  }
  func.func @transform_4(%arg0: i32) -> (i32, i32) {
    %c0_i32 = arith.constant 0 : i32
    %c0_i32_0 = arith.constant 0 : i32
    return %arg0, %c0_i32 : i32, i32
  }
  func.func @transform_5(%arg0: i32) -> (i32, i32) {
    %c0_i32 = arith.constant 0 : i32
    %c0_i32_0 = arith.constant 0 : i32
    return %arg0, %c0_i32 : i32, i32
  }
}

module attributes {stable_mosaic.version = 14 : i64} {
  func.func @body(%arg0: i32, %arg1: memref<2x1280x128xf32, #tpu.memory_space<vmem>>, %arg2: memref<2x1280xf32, #tpu.memory_space<vmem>>, %arg3: memref<1280x128xf32, #tpu.memory_space<vmem>>, %arg4: memref<128x128xf32, #tpu.memory_space<vmem>>, %arg5: memref<128x128xf32, #tpu.memory_space<vmem>>, %arg6: memref<1x128xf32, #tpu.memory_space<vmem>>, %arg7: memref<1280x128xf32, #tpu.memory_space<vmem>>, %arg8: memref<1280x128xf32, #tpu.memory_space<vmem>>) attributes {dimension_semantics = [#tpu.dimension_semantics<arbitrary>], iteration_bounds = array<i64: 8>, scalar_prefetch = 0 : i64, scratch_operands = 0 : i64, tpu.core_type = #tpu.core_type<tc>, window_params = [{transform_indices = @transform_0, window_bounds = array<i64: 2, 1280, 128>}, {transform_indices = @transform_1, window_bounds = array<i64: 2, 1280>}, {transform_indices = @transform_2, window_bounds = array<i64: 1280, 128>}, {pipeline_mode = #tpu.pipeline_mode<synchronous>, transform_indices = @transform_3, window_bounds = array<i64: 128, 128>}, {pipeline_mode = #tpu.pipeline_mode<synchronous>, transform_indices = @transform_4, window_bounds = array<i64: 128, 128>}, {pipeline_mode = #tpu.pipeline_mode<synchronous>, transform_indices = @transform_5, window_bounds = array<i64: 1, 128>}, {transform_indices = @transform_6, window_bounds = array<i64: 1280, 128>}, {transform_indices = @transform_7, window_bounds = array<i64: 1280, 128>}]} {
    %get3A = arith.constant 0 : index
    %get3A_0 = arith.constant 0 : index
    %get3A_1 = arith.constant 0 : index
    %get3A_2 = vector.load %arg1[%get3A, %get3A_0, %get3A_1] : memref<2x1280x128xf32, #tpu.memory_space<vmem>>, vector<1x1280x128xf32>
    %get3A_3 = vector.shape_cast %get3A_2 : vector<1x1280x128xf32> to vector<1280x128xf32>
    %get3A_4 = arith.constant 1 : index
    %get3A_5 = arith.constant 0 : index
    %get3A_6 = arith.constant 0 : index
    %get3A_7 = vector.load %arg1[%get3A_4, %get3A_5, %get3A_6] : memref<2x1280x128xf32, #tpu.memory_space<vmem>>, vector<1x1280x128xf32>
    %get3A_8 = vector.shape_cast %get3A_7 : vector<1x1280x128xf32> to vector<1280x128xf32>
    %add3A = arith.addf %get3A_3, %get3A_8 : vector<1280x128xf32>
    %get3A_9 = arith.constant 0 : index
    %get3A_10 = arith.constant 0 : index
    %get3A_11 = vector.load %arg2[%get3A_9, %get3A_10] : memref<2x1280xf32, #tpu.memory_space<vmem>>, vector<1x1280xf32>
    %get3A_12 = vector.shape_cast %get3A_11 : vector<1x1280xf32> to vector<1280xf32>
    %get3A_13 = arith.constant 1 : index
    %get3A_14 = arith.constant 0 : index
    %get3A_15 = vector.load %arg2[%get3A_13, %get3A_14] : memref<2x1280xf32, #tpu.memory_space<vmem>>, vector<1x1280xf32>
    %get3A_16 = vector.shape_cast %get3A_15 : vector<1x1280xf32> to vector<1280xf32>
    %add3A_17 = arith.addf %get3A_12, %get3A_16 : vector<1280xf32>
    %max3A = arith.constant 1.000000e+00 : f32
    %max3A_18 = vector.broadcast %max3A : f32 to vector<1280xf32>
    %max3A_19 = arith.maximumf %add3A_17, %max3A_18 : vector<1280xf32>
    %reshape3A = vector.shape_cast %max3A_19 : vector<1280xf32> to vector<1280x1xf32>
    %div3A = vector.broadcast %reshape3A : vector<1280x1xf32> to vector<1280x128xf32>
    %div3A_20 = arith.divf %add3A, %div3A : vector<1280x128xf32>
    %get3A_21 = arith.constant 0 : index
    %get3A_22 = arith.constant 0 : index
    %get3A_23 = vector.load %arg3[%get3A_21, %get3A_22] : memref<1280x128xf32, #tpu.memory_space<vmem>>, vector<1280x128xf32>
    %add3A_24 = arith.addf %div3A_20, %get3A_23 : vector<1280x128xf32>
    %max3A_25 = arith.constant 0.000000e+00 : f32
    %max3A_26 = vector.broadcast %max3A_25 : f32 to vector<1280x128xf32>
    %max3A_27 = arith.maximumf %add3A_24, %max3A_26 : vector<1280x128xf32>
    %get3A_28 = arith.constant 0 : index
    %get3A_29 = arith.constant 0 : index
    %get3A_30 = vector.load %arg4[%get3A_28, %get3A_29] : memref<128x128xf32, #tpu.memory_space<vmem>>, vector<128x128xf32>
    %dot_general3A = arith.constant dense<0.000000e+00> : vector<1280x128xf32>
    %dot_general3A_31 = tpu.matmul %max3A_27, %get3A_30, %dot_general3A {dimension_numbers = #tpu.dot_dimension_numbers<[1], [1], [0], [0], [0, 0, 1, 0], [], []>, transpose_lhs_hint = false} : vector<1280x128xf32>, vector<128x128xf32>, vector<1280x128xf32> -> vector<1280x128xf32>
    %swap3A = arith.constant 0 : index
    %swap3A_32 = arith.constant 0 : index
    %swap3A_33 = vector.load %arg7[%swap3A, %swap3A_32] : memref<1280x128xf32, #tpu.memory_space<vmem>>, vector<1280x128xf32>
    tpu.vector_store %arg7[%swap3A, %swap3A_32], %dot_general3A_31 {strides = array<i32>} : memref<1280x128xf32, #tpu.memory_space<vmem>>, vector<1280x128xf32>,
    %get3A_34 = arith.constant 0 : index
    %get3A_35 = arith.constant 0 : index
    %get3A_36 = vector.load %arg5[%get3A_34, %get3A_35] : memref<128x128xf32, #tpu.memory_space<vmem>>, vector<128x128xf32>
    %dot_general3A_37 = arith.constant dense<0.000000e+00> : vector<1280x128xf32>
    %dot_general3A_38 = tpu.matmul %max3A_27, %get3A_36, %dot_general3A_37 {dimension_numbers = #tpu.dot_dimension_numbers<[1], [1], [0], [0], [0, 0, 1, 0], [], []>, transpose_lhs_hint = false} : vector<1280x128xf32>, vector<128x128xf32>, vector<1280x128xf32> -> vector<1280x128xf32>
    %get3A_39 = arith.constant 0 : index
    %get3A_40 = arith.constant 0 : index
    %get3A_41 = vector.load %arg6[%get3A_39, %get3A_40] : memref<1x128xf32, #tpu.memory_space<vmem>>, vector<1x128xf32>
    %add3A_42 = vector.broadcast %get3A_41 : vector<1x128xf32> to vector<1280x128xf32>
    %add3A_43 = arith.addf %dot_general3A_38, %add3A_42 : vector<1280x128xf32>
    %swap3A_44 = arith.constant 0 : index
    %swap3A_45 = arith.constant 0 : index
    %swap3A_46 = vector.load %arg8[%swap3A_44, %swap3A_45] : memref<1280x128xf32, #tpu.memory_space<vmem>>, vector<1280x128xf32>
    tpu.vector_store %arg8[%swap3A_44, %swap3A_45], %add3A_43 {strides = array<i32>} : memref<1280x128xf32, #tpu.memory_space<vmem>>, vector<1280x128xf32>,
    return
  }
  func.func @transform_0(%arg0: i32) -> (i32, i32, i32) {
    %c0_i32 = arith.constant 0 : i32
    %c0_i32_0 = arith.constant 0 : i32
    %c0_i32_1 = arith.constant 0 : i32
    return %c0_i32, %arg0, %c0_i32_0 : i32, i32, i32
  }
  func.func @transform_1(%arg0: i32) -> (i32, i32) {
    %c0_i32 = arith.constant 0 : i32
    %c0_i32_0 = arith.constant 0 : i32
    return %c0_i32, %arg0 : i32, i32
  }
  func.func @transform_2(%arg0: i32) -> (i32, i32) {
    %c0_i32 = arith.constant 0 : i32
    %c0_i32_0 = arith.constant 0 : i32
    return %arg0, %c0_i32 : i32, i32
  }
  func.func @transform_3(%arg0: i32) -> (i32, i32) {
    %c0_i32 = arith.constant 0 : i32
    %c0_i32_0 = arith.constant 0 : i32
    %c0_i32_1 = arith.constant 0 : i32
    return %c0_i32, %c0_i32_0 : i32, i32
  }
  func.func @transform_4(%arg0: i32) -> (i32, i32) {
    %c0_i32 = arith.constant 0 : i32
    %c0_i32_0 = arith.constant 0 : i32
    %c0_i32_1 = arith.constant 0 : i32
    return %c0_i32, %c0_i32_0 : i32, i32
  }
  func.func @transform_5(%arg0: i32) -> (i32, i32) {
    %c0_i32 = arith.constant 0 : i32
    %c0_i32_0 = arith.constant 0 : i32
    %c0_i32_1 = arith.constant 0 : i32
    return %c0_i32, %c0_i32_0 : i32, i32
  }
  func.func @transform_6(%arg0: i32) -> (i32, i32) {
    %c0_i32 = arith.constant 0 : i32
    %c0_i32_0 = arith.constant 0 : i32
    return %arg0, %c0_i32 : i32, i32
  }
  func.func @transform_7(%arg0: i32) -> (i32, i32) {
    %c0_i32 = arith.constant 0 : i32
    %c0_i32_0 = arith.constant 0 : i32
    return %arg0, %c0_i32 : i32, i32
  }
}

module attributes {stable_mosaic.version = 14 : i64} {
  func.func @body(%arg0: i32, %arg1: memref<2x1280x128xf32, #tpu.memory_space<vmem>>, %arg2: memref<2x1280xf32, #tpu.memory_space<vmem>>, %arg3: memref<1280x128xf32, #tpu.memory_space<vmem>>, %arg4: memref<1280x128xf32, #tpu.memory_space<vmem>>) attributes {dimension_semantics = [#tpu.dimension_semantics<arbitrary>], iteration_bounds = array<i64: 8>, scalar_prefetch = 0 : i64, scratch_operands = 0 : i64, tpu.core_type = #tpu.core_type<tc>, window_params = [{transform_indices = @transform_0, window_bounds = array<i64: 2, 1280, 128>}, {transform_indices = @transform_1, window_bounds = array<i64: 2, 1280>}, {transform_indices = @transform_2, window_bounds = array<i64: 1280, 128>}, {transform_indices = @transform_3, window_bounds = array<i64: 1280, 128>}]} {
    %get3A = arith.constant 0 : index
    %get3A_0 = arith.constant 0 : index
    %get3A_1 = arith.constant 0 : index
    %get3A_2 = vector.load %arg1[%get3A, %get3A_0, %get3A_1] : memref<2x1280x128xf32, #tpu.memory_space<vmem>>, vector<1x1280x128xf32>
    %get3A_3 = vector.shape_cast %get3A_2 : vector<1x1280x128xf32> to vector<1280x128xf32>
    %get3A_4 = arith.constant 1 : index
    %get3A_5 = arith.constant 0 : index
    %get3A_6 = arith.constant 0 : index
    %get3A_7 = vector.load %arg1[%get3A_4, %get3A_5, %get3A_6] : memref<2x1280x128xf32, #tpu.memory_space<vmem>>, vector<1x1280x128xf32>
    %get3A_8 = vector.shape_cast %get3A_7 : vector<1x1280x128xf32> to vector<1280x128xf32>
    %add3A = arith.addf %get3A_3, %get3A_8 : vector<1280x128xf32>
    %get3A_9 = arith.constant 0 : index
    %get3A_10 = arith.constant 0 : index
    %get3A_11 = vector.load %arg2[%get3A_9, %get3A_10] : memref<2x1280xf32, #tpu.memory_space<vmem>>, vector<1x1280xf32>
    %get3A_12 = vector.shape_cast %get3A_11 : vector<1x1280xf32> to vector<1280xf32>
    %get3A_13 = arith.constant 1 : index
    %get3A_14 = arith.constant 0 : index
    %get3A_15 = vector.load %arg2[%get3A_13, %get3A_14] : memref<2x1280xf32, #tpu.memory_space<vmem>>, vector<1x1280xf32>
    %get3A_16 = vector.shape_cast %get3A_15 : vector<1x1280xf32> to vector<1280xf32>
    %add3A_17 = arith.addf %get3A_12, %get3A_16 : vector<1280xf32>
    %max3A = arith.constant 1.000000e+00 : f32
    %max3A_18 = vector.broadcast %max3A : f32 to vector<1280xf32>
    %max3A_19 = arith.maximumf %add3A_17, %max3A_18 : vector<1280xf32>
    %reshape3A = vector.shape_cast %max3A_19 : vector<1280xf32> to vector<1280x1xf32>
    %div3A = vector.broadcast %reshape3A : vector<1280x1xf32> to vector<1280x128xf32>
    %div3A_20 = arith.divf %add3A, %div3A : vector<1280x128xf32>
    %get3A_21 = arith.constant 0 : index
    %get3A_22 = arith.constant 0 : index
    %get3A_23 = vector.load %arg3[%get3A_21, %get3A_22] : memref<1280x128xf32, #tpu.memory_space<vmem>>, vector<1280x128xf32>
    %add3A_24 = arith.addf %div3A_20, %get3A_23 : vector<1280x128xf32>
    %swap3A = arith.constant 0 : index
    %swap3A_25 = arith.constant 0 : index
    %swap3A_26 = vector.load %arg4[%swap3A, %swap3A_25] : memref<1280x128xf32, #tpu.memory_space<vmem>>, vector<1280x128xf32>
    tpu.vector_store %arg4[%swap3A, %swap3A_25], %add3A_24 {strides = array<i32>} : memref<1280x128xf32, #tpu.memory_space<vmem>>, vector<1280x128xf32>,
    return
  }
  func.func @transform_0(%arg0: i32) -> (i32, i32, i32) {
    %c0_i32 = arith.constant 0 : i32
    %c0_i32_0 = arith.constant 0 : i32
    %c0_i32_1 = arith.constant 0 : i32
    return %c0_i32, %arg0, %c0_i32_0 : i32, i32, i32
  }
  func.func @transform_1(%arg0: i32) -> (i32, i32) {
    %c0_i32 = arith.constant 0 : i32
    %c0_i32_0 = arith.constant 0 : i32
    return %c0_i32, %arg0 : i32, i32
  }
  func.func @transform_2(%arg0: i32) -> (i32, i32) {
    %c0_i32 = arith.constant 0 : i32
    %c0_i32_0 = arith.constant 0 : i32
    return %arg0, %c0_i32 : i32, i32
  }
  func.func @transform_3(%arg0: i32) -> (i32, i32) {
    %c0_i32 = arith.constant 0 : i32
    %c0_i32_0 = arith.constant 0 : i32
    return %arg0, %c0_i32 : i32, i32
  }
}

</mosaic_0001>

<sc_bundles>
// kernel: kernel.10.cloned.1.call-start
scs
__scs_entry_jumppad:
0x0: {  	(pc) =	sbr.rel $0x88, $3  }
0x1: {  	(tag) =	ssettag $0x0;
	lr =	simm.s32 $0x1  }
0x2: {  	[smem:$0x3F99] =	sst lr;
	_ =	strace $0xD0000000  }
0x3: {  	_ = 	snop  }
0x4: {  	_ = 	snop  }
0x5: {  	_ = 	snop  }
0x6: {  	_ = 	snop  }
0x7: {  	_ = 	snop  }
__scs_overlays_trampoline_lowered:
0x8: {  	[smem:$0x3FA8] =	sst s0  }
0x9: {  	[smem:$0x3FA9] =	sst s1  }
0xa: {  	[smem:$0x3FAA] =	sst s2  }
0xb: {  	[smem:$0x3FAB] =	sst s3  }
0xc: {  	[smem:$0x3FAC] =	sst s4  }
0xd: {  	[smem:$0x3FAD] =	sst s5  }
0xe: {  	[smem:$0x3FAE] =	sst s6  }
0xf: {  	[smem:$0x3FAF] =	sst s7  }
0x10: {  	[smem:$0x3FB0] =	sst s8  }
0x11: {  	[smem:$0x3FB1] =	sst s9;
	s0 =	simm.s32 @!p0 $0x0  }
0x12: {  	s1 =	sld [smem:$0x3F97];
	s0 =	simm.s32 @p0 $0x1  }
0x13: {  	[smem:$0x3FB2] =	sst s0;
	s0 =	simm.s32 @!p1 $0x0  }
0x14: {  	s2 =	sld [smem:$0x3F96];
	s0 =	simm.s32 @p1 $0x1  }
0x15: {  	[smem:$0x3FB3] =	sst s0;
	s0 =	simm.s32 @!p2 $0x0  }
0x16: {  	s3 =	sld [smem:$0x3FDB];
	s0 =	simm.s32 @p2 $0x1  }
0x17: {  	s4 =	simm.s32 $0x1BF5;
	[smem:$0x3FB5] =	sst s0  }
0x18: {  	s0 =	sld [smem:$0x3F98];
	_ =	swait.ge [sflag:s4], $0x0  }
0x19: {  	s7 =	sld [smem:$0x3F99]  }
0x1a: {  	s8 =	sadd.s32 $0xFFFFE003, lr  }
0x1b: {  	s9 =	sadd.s32 $0xFFFFFEF7, lr;
	s5 =	simm.s32 $0xFFFFFFFF;
	p2 =	slt.u32 s8, $0xFFFFF086  }
0x1c: {  	p1 =	slt.u32 s9, $0xF7A;
	s5 =	simm.s32 @!p2 $0x0  }
0x1d: {  	s5 =	simm.s32 @p1 $0x1;
	p0 =	seq.s32 s7, s2  }
0x1e: {  	s7 =	smul.u32 @!p0 $0xF7A, s2;
	p2 =	seq.s32 @!p0 s5, $0x0  }
0x1f: {  	s9 =	smul.u32 $0xF7A, s1;
	s8 =	simm.s32 @!p0 $0x1BF5;
	p2 =	por !p2, p0  }
0x20: {  	[sflag:s8] =	ssyncset.s32 @!p0 $0xFFFFF086;
	s6 =	sadd.s32 @!p0 s3, s7;
	s7 =	simm.s32 @!p0 $0x108  }
0x21: {  	s3 =	sadd.s32 s3, s9;
	s6 =	sadd.s32 @!p0 $0x88, s6;
	s7 =	simm.s32 @p2 $0x1082  }
0x22: {  	[simem:s7], [sflag:s8] =	dma.local @!p0 [hbm:s6], $0xF7A  }
0x23: {  	s9 =	sor.u32 $0xD0000000, s2;
	s6 =	simm.s32 $0x108;
	_ =	swait.ge @!p0 [sflag:s8], $0x0  }
0x24: {  	s3 =	sadd.s32 $0x88, s3;
	s6 =	simm.s32 @!p1 $0x1082;
	[sflag:s4] =	ssyncset.s32 $0xFFFFF086  }
0x25: {  	[simem:s6], [sflag:s4] =	dma.local [hbm:s3], $0xF7A  }
0x26: {  	[smem:$0x3F99] =	sst s1;
	(tag) =	ssettag s2;
	_ =	strace s9  }
0x27: {  	s1 =	sld [smem:$0x3FA9]  }
0x28: {  	s2 =	sld [smem:$0x3FAA]  }
0x29: {  	s4 =	sld [smem:$0x3FAC]  }
0x2a: {  	p0 =	seq.s32 s5, $0x0;
	s5 =	sld [smem:$0x3FAD]  }
0x2b: {  	s6 =	sld [smem:$0x3FAE]  }
0x2c: {  	s7 =	sld [smem:$0x3FAF]  }
0x2d: {  	s3 =	simm.s32 $0x108;
	s8 =	sld [smem:$0x3FB0]  }
0x2e: {  	s3 =	simm.s32 @!p0 $0x1082;
	s9 =	sld [smem:$0x3FB1]  }
0x2f: {  	lr =	sadd.s32 s0, s3;
	s0 =	sld [smem:$0x3FA8]  }
0x30: {  	s3 =	sld [smem:$0x3FAB]  }
0x31: {  	[smem:$0x3FB4] =	sst s10  }
0x32: {  	s10 =	sld [smem:$0x3FB2];
	_ =	sdelay $0x3  }
0x33: {  	p0 =	seq.s32 s10, $0x1;
	s10 =	sld [smem:$0x3FB4];
	_ =	sdelay $0x3  }
0x34: {  	[smem:$0x3FB4] =	sst s10  }
0x35: {  	s10 =	sld [smem:$0x3FB3];
	_ =	sdelay $0x3  }
0x36: {  	p1 =	seq.s32 s10, $0x1;
	s10 =	sld [smem:$0x3FB4];
	_ =	sdelay $0x3  }
0x37: {  	[smem:$0x3FB4] =	sst s10  }
0x38: {  	s10 =	sld [smem:$0x3FB5]  }
0x39: {  	_ = 	snop;
	(pc) =	sbr.ind lr, $3  }
0x3a: {  	_ = 	snop  }
0x3b: {  	_ = 	snop  }
0x3c: {  	p2 =	seq.s32 s10, $0x1;
	s10 =	sld [smem:$0x3FB4]  }
0x3d: {  	_ =	shalt  }
0x3e: {  	_ =	shalt  }
0x3f: {  	_ =	shalt  }
0x40: {  	_ =	shalt  }
0x41: {  	_ =	shalt  }
0x42: {  	_ =	shalt  }
0x43: {  	_ =	shalt  }
0x44: {  	_ =	shalt  }
0x45: {  	_ =	shalt  }
0x46: {  	_ =	shalt  }
0x47: {  	_ =	shalt  }
0x48: {  	_ =	shalt  }
0x49: {  	_ =	shalt  }
0x4a: {  	_ =	shalt  }
0x4b: {  	_ =	shalt  }
0x4c: {  	_ =	shalt  }
0x4d: {  	_ =	shalt  }
0x4e: {  	_ =	shalt  }
0x4f: {  	_ =	shalt  }
0x50: {  	_ =	shalt  }
0x51: {  	_ =	shalt  }
0x52: {  	_ =	shalt  }
0x53: {  	_ =	shalt  }
0x54: {  	_ =	shalt  }
0x55: {  	_ =	shalt  }
0x56: {  	_ =	shalt  }
0x57: {  	_ =	shalt  }
0x58: {  	_ =	shalt  }
0x59: {  	_ =	shalt  }
0x5a: {  	_ =	shalt  }
0x5b: {  	_ =	shalt  }
0x5c: {  	_ =	shalt  }
0x5d: {  	_ =	shalt  }
0x5e: {  	_ =	shalt  }
0x5f: {  	_ =	shalt  }
0x60: {  	_ =	shalt  }
0x61: {  	_ =	shalt  }
0x62: {  	_ =	shalt  }
0x63: {  	_ =	shalt  }
0x64: {  	_ =	shalt  }
0x65: {  	_ =	shalt  }
0x66: {  	_ =	shalt  }
0x67: {  	_ =	shalt  }
0x68: {  	_ =	shalt  }
0x69: {  	_ =	shalt  }
0x6a: {  	_ =	shalt  }
0x6b: {  	_ =	shalt  }
0x6c: {  	_ =	shalt  }
0x6d: {  	_ =	shalt  }
0x6e: {  	_ =	shalt  }
0x6f: {  	_ =	shalt  }
0x70: {  	_ =	shalt  }
0x71: {  	_ =	shalt  }
0x72: {  	_ =	shalt  }
0x73: {  	_ =	shalt  }
0x74: {  	_ =	shalt  }
0x75: {  	_ =	shalt  }
0x76: {  	_ =	shalt  }
0x77: {  	_ =	shalt  }
0x78: {  	_ =	shalt  }
0x79: {  	_ =	shalt  }
0x7a: {  	_ =	shalt  }
0x7b: {  	_ =	shalt  }
0x7c: {  	_ =	shalt  }
0x7d: {  	_ =	shalt  }
0x7e: {  	_ =	shalt  }
0x7f: {  	_ =	shalt  }
0x80: {  	_ =	shalt  }
0x81: {  	_ =	shalt  }
0x82: {  	_ =	shalt  }
0x83: {  	_ =	shalt  }
0x84: {  	_ =	shalt  }
0x85: {  	_ =	shalt  }
0x86: {  	_ =	shalt  }
0x87: {  	_ =	shalt  }
.Lfunc_end0:
.L_simem_size_0:
called_computation.1_lowered:
.L_overlay_start_0:
0x88: {  	s2 =	sld [smem:$0x3FD9]  }
0x89: {  	s3 =	sld [smem:$0x3FFE];
	_ =	sdelay $0x1  }
0x8a: {  	s1 =	srdreg.scid  }
0x8b: {  	s0 =	sand.u32 $0x1, s1  }
0x8c: {  	s17 =	sshll.u32 s0, $0xA;
	s2 =	sadd.s32 s3, s2  }
0x8d: {  	s2 =	sadd.s32 s2, s17  }
0x8e: {  	[smem:$0x3FC0] =	sst s2  }
0x8f: {  	_ = 	snop  }
0x90: {  	s2 =	sld [smem:$0x3FD0];
	(tm) =	ssettm $0x1  }
0x91: {  	s18 =	sld [smem:$0x3FFB];
	_ =	sdelay $0x3  }
0x92: {  	_ =	strace s18  }
0x93: {  	s3 =	sld [smem:$0x3FFC];
	_ =	sdelay $0x3  }
0x94: {  	_ =	strace s3  }
0x95: {  	s3 =	sld [smem:$0x3FFD];
	_ =	sdelay $0x3  }
0x96: {  	_ =	strace s3  }
0x97: {  	_ =	strace $0x8FFFFFFF  }
0x98: {  	s19 =	sld [smem:$0x3FDB];
	_ =	sdelay $0x1  }
0x99: {  	s4 =	simm.s32 $_scs_section_size  }
0x9a: {  	s5 =	simm.s32 $_size__tile_overlayer_lowered;
	s6 =	simm.s32 $_tile_overlayer_lowered  }
0x9b: {  	s22 =	simm.s32 $0x1BFF;
	s21 =	sshll.u32 s6, $0x1;
	s3 =	sadd.s32 s4, s19  }
0x9c: {  	s7 =	simm.s32 $0x0;
	s20 =	sshll.u32 s5, $0x1;
	s5 =	sadd.s32 s21, s3  }
0x9d: {  	[timem:s7], [sflag:s22] =	dma.local [hbm:s5], s20  }
0x9e: {  	_ =	swait.ge [sflag:s22], s20  }
0x9f: {  	s4 =	ssub.s32 $0x0, s20;
	[sflag:s22] =	ssyncset.done $0x0  }
0xa0: {  	[sflag:s22] =	ssyncadd.s32 s4;
	_ =	sdelay $0x1  }
0xa1: {  	s23 =	simm.s32 $0x1B8B  }
0xa2: {  	_ =	swait.ge [sflag:s23], $0x1  }
0xa3: {  	[sflag:s23] =	ssyncset.done $0x0  }
0xa4: {  	s25 =	simm.s32 $0x1B8E;
	s24 =	sld [smem:$0x3FFE];
	[sflag:s23] =	ssyncadd.s32 $0xFFFFFFFF  }
0xa5: {  	s26 =	simm.s32 $execute0_lowered;
	[smem:$0x3FD2] =	sst s25  }
0xa6: {  	s5 =	sshll.u32 s26, $0x1;
	_ =	strace $0x80000049;
	[dreg:$0x1] =	wrdreg $0xFFFFFFFF  }
0xa7: {  	s28 =	simm.s32 $_size_execute0_lowered;
	s3 =	sadd.s32 s3, s5;
	[dreg:$0x0] =	wrdreg $0x0  }
0xa8: {  	s5 =	sshll.u32 s28, $0x1;
	[dreg:$0x2] =	wrdreg s3  }
0xa9: {  	[dreg:$0x3] =	wrdreg s5  }
0xaa: {  	[dreg:$0x4] =	wrdreg $0xC0  }
0xab: {  	_ =	task [dreg:s7], $0x5FFFF  }
0xac: {  	[dreg:$0x1] =	wrdreg $0xFFFFFFFF  }
0xad: {  	[dreg:$0x0] =	wrdreg $0x60  }
0xae: {  	[dreg:$0x2] =	wrdreg s24  }
0xaf: {  	[dreg:$0x3] =	wrdreg s2  }
0xb0: {  	[dreg:$0x4] =	wrdreg $0x0  }
0xb1: {  	[dreg:$0x5] =	wrdreg $0x9  }
0xb2: {  	_ =	task.clear_ibuf [dreg:s7], $0x6FFFF;
	_ =	strace $0x90000049  }
0xb3: {  	s29 =	simm.s32 $0x9;
	_ =	strace $0x8000004B  }
0xb4: {  	_ =	swait.ge [sflag:s29], $0x1  }
0xb5: {  	[sflag:s29] =	ssyncadd.s32 $0xFFFFFFFF  }
0xb6: {  	_ =	strace $0x9000004B  }
0xb7: {  	_ =	sfence  }
0xb8: {  	s30 =	sld [smem:$0x0];
	_ =	sdelay $0x2  }
0xb9: {  	s31 =	sshll.u32 s1, $0xD;
	s1 =	sshrl.u32 s1, $0x2  }
0xba: {  	s3 =	sand.u32 $0x4000, s31;
	s1 =	sadd.s32 s1, s30  }
0xbb: {  	s0 =	sor.u32 s3, s0;
	s1 =	sshll.u32 s1, $0x11  }
0xbc: {  	s0 =	sor.u32 s1, s0  }
0xbd: {  	s0 =	sadd.s32 $0x8F2B, s0  }
0xbe: {  	[sflag:s0] =	ssyncadd.remote.s32 $0x1  }
0xbf: {  	_ =	sfence.sel $0xFFFF  }
0xc0: {  	[dreg:$0x0] =	wrdreg $0xFFFFFFFF;
	(pc) =	sbr.abs _section_cstart, $3  }
0xc1: {  	[dreg:$0x1] =	wrdreg $0xFFFFFFFF  }
0xc2: {  	_ =	task.clear_ibuf [dreg:s7], $0x2FFFF;
	_ =	strace $0x9FFFFFFF  }
0xc3: {  	(tm) =	ssettm $0x7FFFFFFF  }
tec
execute0_lowered:
.L_overlay_start_1:
0x0: {  	(tag) =	ssettag $0x1  }
0x1: {  	s6 =	rddreg [dreg:$0x0]  }
0x2: {  	s10 =	rddreg [dreg:$0x1];
	s0 =	srdreg.scid  }
0x3: {  	s2 =	rddreg [dreg:$0x2];
	s1 =	stileid.u32;
	s3 =	simm.s32 $0x0  }
0x4: {  	s15 =	simm.s32 $0x80;
	s16 =	simm.s32 $0x14080;
	s17 =	simm.s32 $0x1  }
0x5: {  	s7 =	sand.u32 $0x1, s0;
	s0 =	rddreg [dreg:$0x3];
	s8 =	smul.u32 $0x14000, s1  }
0x6: {  	s18 =	simm.s32 $0x0;
	[smem:$0x7FF] =	sst s3;
	s11 =	smul.u32 $0x9E0, s1  }
0x7: {  	s4 =	sadd.s32 $0xBA00, s6;
	s12 =	smul.u32 $0x50000, s1;
	s30 =	sshll.u32 s1, $0x6  }
0x8: {  	s5 =	smul.u32 $0x140000, s7;
	_ =	strace $0x8000004A;
	s29 =	ssub.s32 $0x2, s7  }
0x9: {  	s14 =	smul.u32 $0x4F0, s7;
	s28 =	sadd.s32 s11, s6;
	s13 =	sshrl.u32 s29, $0x1  }
0xa: {  	s12 =	sshrl.u32 s12, $0x2;
	s10 =	sadd.s32 s11, s10;
	s5 =	sadd.s32 s8, s5  }
0xb: {  	s13 =	ssub.s32 s29, s13;
	s12 =	sadd.s32 s12, s2;
	s31 =	sadd.s32 s14, s28  }
0xc: {  	s10 =	sadd.s32 s14, s10;
	s14 =	simm.s32 $0x14000;
	s9 =	sshrl.u32 s5, $0x3  }
0xd: {  	s5 =	sadd.s32 $0x33A00, s6;
	s8 =	smax.u32 s13, $0x1;
	s11 =	sshrl.u32 s12, $0x3  }
0xe: {  	s12 =	simm.s32 $0x2;
	s13 =	simm.s32 $0x18080;
	s9 =	sadd.s32 s9, s6  }
0xf: {  	s6 =	sor.u32 $0x1C02, s30;
	s7 =	sadd.s32 $0x36200, s9;
	s9 =	sadd.s32 $0x1C00, s31  }
.LBB2_1:
0x10: {  	[spmem:s11], [sflag:s6] =	dma.local [hbm:s5], $0x2800  }
0x11: {  	_ =	swait.ge [sflag:s12], $0x2800  }
0x12: {  	[sflag:s12] =	ssyncset.done $0x0  }
0x13: {  	[sflag:s12] =	ssyncadd.s32 $0xFFFFD800  }
0x14: {  	s19 =	sadd.s32 $0x0, s10;
	[bflag:$0x0] =	sbarrier.arrive $0xFFFF  }
0x15: {  	[tilespmem:s13], [sflag:$0x2] =	stream.linear.gather [hbm4b:s19+s3], $0x80, $0x38;
	[tilespmem:$0x18100] =	vst v63  }
0x16: {  	_ =	swait.ge [sflag:s12], $0x80  }
0x17: {  	[sflag:s12] =	ssyncset.done $0x0  }
0x18: {  	s31 =	sadd.s32 $0x0, s9;
	[sflag:s12] =	ssyncadd.s32 $0xFFFFFF80  }
0x19: {  	[tilespmem:s14], [sflag:$0x2] =	stream.linear.gather [hbm4b:s31+s3], $0x80, $0x38;
	[tilespmem:$0x18100] =	vst v63  }
0x1a: {  	_ =	swait.ge [sflag:s12], $0x80  }
0x1b: {  	[sflag:s12] =	ssyncset.done $0x0  }
0x1c: {  	[sflag:s12] =	ssyncadd.s32 $0xFFFFFF80  }
0x1d: {  	[tilespmem:s16], [sflag:$0x1] =	stream.indirect.gather [hbm4b:s4+s15], $0x80, s13, s15, $0xb8;
	[tilespmem:$0x18100] =	vst v63  }
0x1e: {  	_ =	swait.ge [sflag:s17], $0x4000  }
0x1f: {  	[sflag:s17] =	ssyncset.done $0x0  }
0x20: {  	[sflag:s17] =	ssyncadd.s32 $0xFFFFC000  }
0x21: {  	[spmem:s2] =	stream.indirect.scatter.add.f32 [tilespmem:s16], [sflag:$0x2], $0x80, s14, s15, $0xb8;
	[tilespmem:$0x18100] =	vst v63  }
0x22: {  	_ =	swait.ge [sflag:s12], $0x4000  }
0x23: {  	s20 =	simm.s32 $0x20;
	s19 =	simm.s32 $0x10;
	[sflag:s12] =	ssyncset.done $0x0  }
.LBB2_2:
0x24: {  	s21 =	sadd.s32 s19, s10  }
0x25: {  	[sflag:s12] =	ssyncadd.s32 $0xFFFFC000;
	s22 =	smov.u32 s20;
	s23 =	sadd.s32 $0x10, s20  }
0x26: {  	[tilespmem:s13], [sflag:$0x2] =	stream.linear.gather [hbm4b:s21+s3], $0x80, $0x38;
	[tilespmem:$0x18100] =	vst v63  }
0x27: {  	p0 =	sne.s32 s20, $0x4E0;
	_ =	swait.ge [sflag:s12], $0x80  }
0x28: {  	[sflag:s12] =	ssyncset.done $0x0  }
0x29: {  	s20 =	sadd.s32 s19, s9;
	s19 =	smov.u32 s22;
	[sflag:s12] =	ssyncadd.s32 $0xFFFFFF80  }
0x2a: {  	[tilespmem:s14], [sflag:$0x2] =	stream.linear.gather [hbm4b:s20+s3], $0x80, $0x38;
	[tilespmem:$0x18100] =	vst v63  }
0x2b: {  	_ =	swait.ge [sflag:s12], $0x80  }
0x2c: {  	[sflag:s12] =	ssyncset.done $0x0  }
0x2d: {  	[sflag:s12] =	ssyncadd.s32 $0xFFFFFF80  }
0x2e: {  	[tilespmem:s16], [sflag:$0x1] =	stream.indirect.gather [hbm4b:s4+s15], $0x80, s13, s15, $0xb8;
	[tilespmem:$0x18100] =	vst v63  }
0x2f: {  	_ =	swait.ge [sflag:s17], $0x4000  }
.Ltmp0:
0x30: {  	[sflag:s17] =	ssyncset.done $0x0;
	(pc) =	sbr.rel @p0 .LBB2_2-.Ltmp0, $4  }
0x31: {  	[sflag:s17] =	ssyncadd.s32 $0xFFFFC000  }
0x32: {  	[spmem:s2] =	stream.indirect.scatter.add.f32 [tilespmem:s16], [sflag:$0x2], $0x80, s14, s15, $0xb8;
	[tilespmem:$0x18100] =	vst v63  }
0x33: {  	_ =	swait.ge [sflag:s12], $0x4000  }
0x34: {  	s20 =	smov.u32 s23;
	[sflag:s12] =	ssyncset.done $0x0  }
0x35: {  	s20 =	sadd.s32 s19, s10;
	[sflag:s12] =	ssyncadd.s32 $0xFFFFC000  }
0x36: {  	[tilespmem:s13], [sflag:$0x2] =	stream.linear.gather [hbm4b:s20+s3], $0x80, $0x38;
	[tilespmem:$0x18100] =	vst v63  }
0x37: {  	_ =	swait.ge [sflag:s12], $0x80  }
0x38: {  	[sflag:s12] =	ssyncset.done $0x0  }
0x39: {  	s31 =	sadd.s32 s19, s9;
	[sflag:s12] =	ssyncadd.s32 $0xFFFFFF80  }
0x3a: {  	[tilespmem:s14], [sflag:$0x2] =	stream.linear.gather [hbm4b:s31+s3], $0x80, $0x38;
	[tilespmem:$0x18100] =	vst v63  }
0x3b: {  	_ =	swait.ge [sflag:s12], $0x80  }
0x3c: {  	[sflag:s12] =	ssyncset.done $0x0  }
0x3d: {  	[sflag:s12] =	ssyncadd.s32 $0xFFFFFF80  }
0x3e: {  	[tilespmem:s16], [sflag:$0x1] =	stream.indirect.gather [hbm4b:s4+s15], $0x80, s13, s15, $0xb8;
	[tilespmem:$0x18100] =	vst v63  }
0x3f: {  	_ =	swait.ge [sflag:s17], $0x4000  }
0x40: {  	[sflag:s17] =	ssyncset.done $0x0  }
0x41: {  	[sflag:s17] =	ssyncadd.s32 $0xFFFFC000  }
0x42: {  	[spmem:s2] =	stream.indirect.scatter.add.f32 [tilespmem:s16], [sflag:$0x2], $0x80, s14, s15, $0xb8;
	[tilespmem:$0x18100] =	vst v63  }
0x43: {  	_ =	swait.ge [sflag:s12], $0x4000  }
0x44: {  	s18 =	sadd.s32 $0x1, s18;
	[sflag:s12] =	ssyncset.done $0x0  }
0x45: {  	p0 =	sne.s32 s18, s8;
	[sflag:s12] =	ssyncadd.s32 $0xFFFFC000  }
.Ltmp1:
0x46: {  	[bflag:$0x0] =	sbarrier.arrive $0xFFFF;
	(pc) =	sbr.rel @p0 .LBB2_1-.Ltmp1, $4  }
0x47: {  	[hbm:s7], [sflag:s6] =	dma.local [spmem:s11], $0x2800  }
0x48: {  	_ =	swait.ge [sflag:s12], $0x2800  }
0x49: {  	[sflag:s12] =	ssyncset.done $0x0  }
0x4a: {  	[sflag:s12] =	ssyncadd.s32 $0xFFFFD800  }
0x4b: {  	_ =	sfence.sel $0x180000  }
0x4c: {  	[bflag:$0x0] =	sbarrier.arrive $0xFFFF  }
0x4d: {  	p0 =	sne.s32 s1, $0x0;
	_ =	strace $0x9000004A  }
0x4e: {  	s0 =	sadd.s32 @!p0 $0x100000, s0;
	[bflag:$0x2] =	sbarrier.arrive $0xFFFF  }
0x4f: {  	[sflag:s0] =	ssyncadd.tile.s32 @!p0 $0x1;
	_ =	shalt  }
.Lfunc_end2:
_tile_overlayer_lowered:
.L_overlay_start_2:
0x50: {  	(tag) =	ssettag $0x2  }
0x51: {  	s0 =	rddreg [dreg:$0x0];
	s2 =	stileid.u32  }
0x52: {  	s1 =	rddreg [dreg:$0x1];
	p0 =	sne.s32 s2, $0x0  }
0x53: {  	s3 =	rddreg [dreg:$0x2];
	[bflag:$0x3] =	sbarrier.arrive $0xFFFF;
	s2 =	simm.s32 @!p0 $0x1C02  }
0x54: {  	[timem:s3], [sflag:s2] =	dma.local @!p0 [hbm:s0], s1  }
0x55: {  	s0 =	simm.s32 @!p0 $0x2  }
0x56: {  	_ =	swait.ge @!p0 [sflag:s0], s1  }
0x57: {  	s1 =	ssub.s32 @!p0 $0x0, s1;
	[sflag:s0] =	ssyncset.done @!p0 $0x0  }
0x58: {  	[sflag:s0] =	ssyncadd.s32 @!p0 s1  }
0x59: {  	[bflag:$0x3] =	sbarrier.arrive $0xFFFF  }
0x5a: {  	_ =	shalt  }

// kernel: kernel.7.cloned.1.call-start
scs
__scs_entry_jumppad:
0x0: {  	(pc) =	sbr.rel $0x88, $3  }
0x1: {  	(tag) =	ssettag $0x0;
	lr =	simm.s32 $0x1  }
0x2: {  	[smem:$0x3F99] =	sst lr;
	_ =	strace $0xD0000000  }
0x3: {  	_ = 	snop  }
0x4: {  	_ = 	snop  }
0x5: {  	_ = 	snop  }
0x6: {  	_ = 	snop  }
0x7: {  	_ = 	snop  }
__scs_overlays_trampoline_lowered:
0x8: {  	[smem:$0x3FA8] =	sst s0  }
0x9: {  	[smem:$0x3FA9] =	sst s1  }
0xa: {  	[smem:$0x3FAA] =	sst s2  }
0xb: {  	[smem:$0x3FAB] =	sst s3  }
0xc: {  	[smem:$0x3FAC] =	sst s4  }
0xd: {  	[smem:$0x3FAD] =	sst s5  }
0xe: {  	[smem:$0x3FAE] =	sst s6  }
0xf: {  	[smem:$0x3FAF] =	sst s7  }
0x10: {  	[smem:$0x3FB0] =	sst s8  }
0x11: {  	[smem:$0x3FB1] =	sst s9;
	s0 =	simm.s32 @!p0 $0x0  }
0x12: {  	s1 =	sld [smem:$0x3F97];
	s0 =	simm.s32 @p0 $0x1  }
0x13: {  	[smem:$0x3FB2] =	sst s0;
	s0 =	simm.s32 @!p1 $0x0  }
0x14: {  	s2 =	sld [smem:$0x3F96];
	s0 =	simm.s32 @p1 $0x1  }
0x15: {  	[smem:$0x3FB3] =	sst s0;
	s0 =	simm.s32 @!p2 $0x0  }
0x16: {  	s3 =	sld [smem:$0x3FDB];
	s0 =	simm.s32 @p2 $0x1  }
0x17: {  	s4 =	simm.s32 $0x1BF5;
	[smem:$0x3FB5] =	sst s0  }
0x18: {  	s0 =	sld [smem:$0x3F98];
	_ =	swait.ge [sflag:s4], $0x0  }
0x19: {  	s7 =	sld [smem:$0x3F99]  }
0x1a: {  	s8 =	sadd.s32 $0xFFFFE003, lr  }
0x1b: {  	s9 =	sadd.s32 $0xFFFFFEF7, lr;
	s5 =	simm.s32 $0xFFFFFFFF;
	p2 =	slt.u32 s8, $0xFFFFF086  }
0x1c: {  	p1 =	slt.u32 s9, $0xF7A;
	s5 =	simm.s32 @!p2 $0x0  }
0x1d: {  	s5 =	simm.s32 @p1 $0x1;
	p0 =	seq.s32 s7, s2  }
0x1e: {  	s7 =	smul.u32 @!p0 $0xF7A, s2;
	p2 =	seq.s32 @!p0 s5, $0x0  }
0x1f: {  	s9 =	smul.u32 $0xF7A, s1;
	s8 =	simm.s32 @!p0 $0x1BF5;
	p2 =	por !p2, p0  }
0x20: {  	[sflag:s8] =	ssyncset.s32 @!p0 $0xFFFFF086;
	s6 =	sadd.s32 @!p0 s3, s7;
	s7 =	simm.s32 @!p0 $0x108  }
0x21: {  	s3 =	sadd.s32 s3, s9;
	s6 =	sadd.s32 @!p0 $0x88, s6;
	s7 =	simm.s32 @p2 $0x1082  }
0x22: {  	[simem:s7], [sflag:s8] =	dma.local @!p0 [hbm:s6], $0xF7A  }
0x23: {  	s9 =	sor.u32 $0xD0000000, s2;
	s6 =	simm.s32 $0x108;
	_ =	swait.ge @!p0 [sflag:s8], $0x0  }
0x24: {  	s3 =	sadd.s32 $0x88, s3;
	s6 =	simm.s32 @!p1 $0x1082;
	[sflag:s4] =	ssyncset.s32 $0xFFFFF086  }
0x25: {  	[simem:s6], [sflag:s4] =	dma.local [hbm:s3], $0xF7A  }
0x26: {  	[smem:$0x3F99] =	sst s1;
	(tag) =	ssettag s2;
	_ =	strace s9  }
0x27: {  	s1 =	sld [smem:$0x3FA9]  }
0x28: {  	s2 =	sld [smem:$0x3FAA]  }
0x29: {  	s4 =	sld [smem:$0x3FAC]  }
0x2a: {  	p0 =	seq.s32 s5, $0x0;
	s5 =	sld [smem:$0x3FAD]  }
0x2b: {  	s6 =	sld [smem:$0x3FAE]  }
0x2c: {  	s7 =	sld [smem:$0x3FAF]  }
0x2d: {  	s3 =	simm.s32 $0x108;
	s8 =	sld [smem:$0x3FB0]  }
0x2e: {  	s3 =	simm.s32 @!p0 $0x1082;
	s9 =	sld [smem:$0x3FB1]  }
0x2f: {  	lr =	sadd.s32 s0, s3;
	s0 =	sld [smem:$0x3FA8]  }
0x30: {  	s3 =	sld [smem:$0x3FAB]  }
0x31: {  	[smem:$0x3FB4] =	sst s10  }
0x32: {  	s10 =	sld [smem:$0x3FB2];
	_ =	sdelay $0x3  }
0x33: {  	p0 =	seq.s32 s10, $0x1;
	s10 =	sld [smem:$0x3FB4];
	_ =	sdelay $0x3  }
0x34: {  	[smem:$0x3FB4] =	sst s10  }
0x35: {  	s10 =	sld [smem:$0x3FB3];
	_ =	sdelay $0x3  }
0x36: {  	p1 =	seq.s32 s10, $0x1;
	s10 =	sld [smem:$0x3FB4];
	_ =	sdelay $0x3  }
0x37: {  	[smem:$0x3FB4] =	sst s10  }
0x38: {  	s10 =	sld [smem:$0x3FB5]  }
0x39: {  	_ = 	snop;
	(pc) =	sbr.ind lr, $3  }
0x3a: {  	_ = 	snop  }
0x3b: {  	_ = 	snop  }
0x3c: {  	p2 =	seq.s32 s10, $0x1;
	s10 =	sld [smem:$0x3FB4]  }
0x3d: {  	_ =	shalt  }
0x3e: {  	_ =	shalt  }
0x3f: {  	_ =	shalt  }
0x40: {  	_ =	shalt  }
0x41: {  	_ =	shalt  }
0x42: {  	_ =	shalt  }
0x43: {  	_ =	shalt  }
0x44: {  	_ =	shalt  }
0x45: {  	_ =	shalt  }
0x46: {  	_ =	shalt  }
0x47: {  	_ =	shalt  }
0x48: {  	_ =	shalt  }
0x49: {  	_ =	shalt  }
0x4a: {  	_ =	shalt  }
0x4b: {  	_ =	shalt  }
0x4c: {  	_ =	shalt  }
0x4d: {  	_ =	shalt  }
0x4e: {  	_ =	shalt  }
0x4f: {  	_ =	shalt  }
0x50: {  	_ =	shalt  }
0x51: {  	_ =	shalt  }
0x52: {  	_ =	shalt  }
0x53: {  	_ =	shalt  }
0x54: {  	_ =	shalt  }
0x55: {  	_ =	shalt  }
0x56: {  	_ =	shalt  }
0x57: {  	_ =	shalt  }
0x58: {  	_ =	shalt  }
0x59: {  	_ =	shalt  }
0x5a: {  	_ =	shalt  }
0x5b: {  	_ =	shalt  }
0x5c: {  	_ =	shalt  }
0x5d: {  	_ =	shalt  }
0x5e: {  	_ =	shalt  }
0x5f: {  	_ =	shalt  }
0x60: {  	_ =	shalt  }
0x61: {  	_ =	shalt  }
0x62: {  	_ =	shalt  }
0x63: {  	_ =	shalt  }
0x64: {  	_ =	shalt  }
0x65: {  	_ =	shalt  }
0x66: {  	_ =	shalt  }
0x67: {  	_ =	shalt  }
0x68: {  	_ =	shalt  }
0x69: {  	_ =	shalt  }
0x6a: {  	_ =	shalt  }
0x6b: {  	_ =	shalt  }
0x6c: {  	_ =	shalt  }
0x6d: {  	_ =	shalt  }
0x6e: {  	_ =	shalt  }
0x6f: {  	_ =	shalt  }
0x70: {  	_ =	shalt  }
0x71: {  	_ =	shalt  }
0x72: {  	_ =	shalt  }
0x73: {  	_ =	shalt  }
0x74: {  	_ =	shalt  }
0x75: {  	_ =	shalt  }
0x76: {  	_ =	shalt  }
0x77: {  	_ =	shalt  }
0x78: {  	_ =	shalt  }
0x79: {  	_ =	shalt  }
0x7a: {  	_ =	shalt  }
0x7b: {  	_ =	shalt  }
0x7c: {  	_ =	shalt  }
0x7d: {  	_ =	shalt  }
0x7e: {  	_ =	shalt  }
0x7f: {  	_ =	shalt  }
0x80: {  	_ =	shalt  }
0x81: {  	_ =	shalt  }
0x82: {  	_ =	shalt  }
0x83: {  	_ =	shalt  }
0x84: {  	_ =	shalt  }
0x85: {  	_ =	shalt  }
0x86: {  	_ =	shalt  }
0x87: {  	_ =	shalt  }
.Lfunc_end0:
.L_simem_size_0:
called_computation_lowered:
.L_overlay_start_0:
0x88: {  	s2 =	sld [smem:$0x3FD9]  }
0x89: {  	s3 =	sld [smem:$0x3FFE];
	_ =	sdelay $0x1  }
0x8a: {  	s1 =	srdreg.scid  }
0x8b: {  	s0 =	sand.u32 $0x1, s1  }
0x8c: {  	s17 =	sshll.u32 s0, $0xA;
	s2 =	sadd.s32 s3, s2  }
0x8d: {  	s2 =	sadd.s32 s2, s17  }
0x8e: {  	[smem:$0x3FC0] =	sst s2  }
0x8f: {  	_ = 	snop  }
0x90: {  	s2 =	sld [smem:$0x3FD0];
	(tm) =	ssettm $0x1  }
0x91: {  	s18 =	sld [smem:$0x3FFB];
	_ =	sdelay $0x3  }
0x92: {  	_ =	strace s18  }
0x93: {  	s3 =	sld [smem:$0x3FFC];
	_ =	sdelay $0x3  }
0x94: {  	_ =	strace s3  }
0x95: {  	s3 =	sld [smem:$0x3FFD];
	_ =	sdelay $0x3  }
0x96: {  	_ =	strace s3  }
0x97: {  	_ =	strace $0x8FFFFFFF  }
0x98: {  	s19 =	sld [smem:$0x3FDB];
	_ =	sdelay $0x1  }
0x99: {  	s4 =	simm.s32 $_scs_section_size  }
0x9a: {  	s5 =	simm.s32 $_size__tile_overlayer_lowered;
	s6 =	simm.s32 $_tile_overlayer_lowered  }
0x9b: {  	s22 =	simm.s32 $0x1BFF;
	s21 =	sshll.u32 s6, $0x1;
	s3 =	sadd.s32 s4, s19  }
0x9c: {  	s7 =	simm.s32 $0x0;
	s20 =	sshll.u32 s5, $0x1;
	s5 =	sadd.s32 s21, s3  }
0x9d: {  	[timem:s7], [sflag:s22] =	dma.local [hbm:s5], s20  }
0x9e: {  	_ =	swait.ge [sflag:s22], s20  }
0x9f: {  	s4 =	ssub.s32 $0x0, s20;
	[sflag:s22] =	ssyncset.done $0x0  }
0xa0: {  	[sflag:s22] =	ssyncadd.s32 s4;
	_ =	sdelay $0x1  }
0xa1: {  	s23 =	simm.s32 $0x1B8B  }
0xa2: {  	_ =	swait.ge [sflag:s23], $0x1  }
0xa3: {  	[sflag:s23] =	ssyncset.done $0x0  }
0xa4: {  	s25 =	simm.s32 $0x1B8E;
	s24 =	sld [smem:$0x3FFE];
	[sflag:s23] =	ssyncadd.s32 $0xFFFFFFFF  }
0xa5: {  	s26 =	simm.s32 $execute0_lowered;
	[smem:$0x3FD2] =	sst s25  }
0xa6: {  	s5 =	sshll.u32 s26, $0x1;
	_ =	strace $0x80000046;
	[dreg:$0x1] =	wrdreg $0xFFFFFFFF  }
0xa7: {  	s28 =	simm.s32 $_size_execute0_lowered;
	s3 =	sadd.s32 s3, s5;
	[dreg:$0x0] =	wrdreg $0x0  }
0xa8: {  	s5 =	sshll.u32 s28, $0x1;
	[dreg:$0x2] =	wrdreg s3  }
0xa9: {  	[dreg:$0x3] =	wrdreg s5  }
0xaa: {  	[dreg:$0x4] =	wrdreg $0xC0  }
0xab: {  	_ =	task [dreg:s7], $0x5FFFF  }
0xac: {  	[dreg:$0x1] =	wrdreg $0xFFFFFFFF  }
0xad: {  	[dreg:$0x0] =	wrdreg $0x60  }
0xae: {  	[dreg:$0x2] =	wrdreg s24  }
0xaf: {  	[dreg:$0x3] =	wrdreg s2  }
0xb0: {  	[dreg:$0x4] =	wrdreg $0x0  }
0xb1: {  	[dreg:$0x5] =	wrdreg $0x140000  }
0xb2: {  	[dreg:$0x6] =	wrdreg $0x9  }
0xb3: {  	_ =	task.clear_ibuf [dreg:s7], $0x7FFFF;
	_ =	strace $0x90000046  }
0xb4: {  	s29 =	simm.s32 $0x9;
	_ =	strace $0x80000048  }
0xb5: {  	_ =	swait.ge [sflag:s29], $0x1  }
0xb6: {  	[sflag:s29] =	ssyncadd.s32 $0xFFFFFFFF  }
0xb7: {  	_ =	strace $0x90000048  }
0xb8: {  	_ =	sfence  }
0xb9: {  	s30 =	sld [smem:$0x0];
	_ =	sdelay $0x2  }
0xba: {  	s31 =	sshll.u32 s1, $0xD;
	s1 =	sshrl.u32 s1, $0x2  }
0xbb: {  	s3 =	sand.u32 $0x4000, s31;
	s1 =	sadd.s32 s1, s30  }
0xbc: {  	s0 =	sor.u32 s3, s0;
	s1 =	sshll.u32 s1, $0x11  }
0xbd: {  	s0 =	sor.u32 s1, s0  }
0xbe: {  	s0 =	sadd.s32 $0x8F2B, s0  }
0xbf: {  	[sflag:s0] =	ssyncadd.remote.s32 $0x1  }
0xc0: {  	_ =	sfence.sel $0xFFFF  }
0xc1: {  	[dreg:$0x0] =	wrdreg $0xFFFFFFFF;
	(pc) =	sbr.abs _section_cstart, $3  }
0xc2: {  	[dreg:$0x1] =	wrdreg $0xFFFFFFFF  }
0xc3: {  	_ =	task.clear_ibuf [dreg:s7], $0x2FFFF;
	_ =	strace $0x9FFFFFFF  }
0xc4: {  	(tm) =	ssettm $0x7FFFFFFF  }
0xc5: {  	_ =	shalt  }
tec
execute0_lowered:
.L_overlay_start_1:
0x0: {  	(tag) =	ssettag $0x1  }
0x1: {  	s7 =	rddreg [dreg:$0x0]  }
0x2: {  	s12 =	rddreg [dreg:$0x1]  }
0x3: {  	s0 =	stileid.u32;
	s2 =	rddreg [dreg:$0x2]  }
0x4: {  	s1 =	srdreg.scid;
	s3 =	rddreg [dreg:$0x3];
	s4 =	simm.s32 $0x0  }
0x5: {  	s18 =	simm.s32 $0x14280;
	s19 =	simm.s32 $0x80;
	s13 =	smul.u32 $0x9E0, s0  }
0x6: {  	s20 =	simm.s32 $0x14380;
	s21 =	simm.s32 $0x1;
	s9 =	smul.u32 $0x14000, s0  }
0x7: {  	s22 =	simm.s32 $0x14300;
	s23 =	simm.s32 $0x0;
	s10 =	smul.u32 $0x280, s0  }
0x8: {  	s8 =	sand.u32 $0x1, s1;
	s1 =	rddreg [dreg:$0x4];
	s16 =	smul.u32 $0x50000, s0  }
0x9: {  	[smem:$0x7FF] =	sst s4;
	s5 =	sadd.s32 $0xBA00, s7;
	s6 =	smul.u32 $0x140000, s8  }
0xa: {  	s30 =	sshll.u32 s0, $0x6;
	_ =	strace $0x80000047;
	s11 =	smul.u32 $0x2800, s8  }
0xb: {  	s15 =	ssub.s32 $0x2, s8;
	s31 =	smul.u32 $0x4F0, s8;
	s14 =	sadd.s32 s13, s7  }
0xc: {  	s28 =	sshrl.u32 s15, $0x1;
	s29 =	sshrl.u32 s16, $0x2;
	s8 =	sadd.s32 s10, s3  }
0xd: {  	s13 =	sadd.s32 s13, s12;
	s16 =	simm.s32 $0x18400;
	s9 =	sadd.s32 s9, s6  }
0xe: {  	s6 =	sadd.s32 $0x33A00, s7;
	s11 =	sadd.s32 s10, s11;
	s15 =	ssub.s32 s15, s28  }
0xf: {  	s17 =	sadd.s32 s29, s2;
	s14 =	sadd.s32 s31, s14;
	s13 =	sadd.s32 s31, s13  }
0x10: {  	s9 =	sshrl.u32 s9, $0x3;
	s11 =	sshrl.u32 s11, $0x3;
	s12 =	sadd.s32 $0x1C00, s14  }
0x11: {  	s14 =	sshrl.u32 s17, $0x3;
	s17 =	simm.s32 $0x18380;
	s9 =	sadd.s32 s9, s7  }
0x12: {  	s11 =	sadd.s32 s11, s7;
	s7 =	sor.u32 $0x1C02, s30;
	s9 =	sadd.s32 $0x36C00, s9  }
0x13: {  	v0 =	vimm.f32 $1.000000000e+00;
	v1 =	vimm.f32 $0.0e+00;
	s10 =	sadd.s32 $0x36200, s11;
	s11 =	smax.u32 s15, $0x1;
	s15 =	simm.s32 $0x2  }
.LBB2_1:
0x14: {  	[spmem:s14], [sflag:s7] =	dma.local [hbm:s6], $0x2800  }
0x15: {  	_ =	swait.ge [sflag:s15], $0x2800  }
0x16: {  	[sflag:s15] =	ssyncset.done $0x0  }
0x17: {  	[sflag:s15] =	ssyncadd.s32 $0xFFFFD800  }
0x18: {  	[tilespmem:$0x14300] =	vst v0  }
0x19: {  	[tilespmem:$0x14310] =	vst v0  }
0x1a: {  	[tilespmem:$0x14320] =	vst v0  }
0x1b: {  	[tilespmem:$0x14330] =	vst v0  }
0x1c: {  	[tilespmem:$0x14340] =	vst v0  }
0x1d: {  	[tilespmem:$0x14350] =	vst v0  }
0x1e: {  	[tilespmem:$0x14360] =	vst v0  }
0x1f: {  	[tilespmem:$0x14370] =	vst v0  }
0x20: {  	[tilespmem:$0x18400] =	vst v1  }
0x21: {  	[tilespmem:$0x18410] =	vst v1  }
0x22: {  	[tilespmem:$0x18420] =	vst v1  }
0x23: {  	[tilespmem:$0x18430] =	vst v1  }
0x24: {  	[tilespmem:$0x18440] =	vst v1  }
0x25: {  	[tilespmem:$0x18450] =	vst v1  }
0x26: {  	[tilespmem:$0x18460] =	vst v1  }
0x27: {  	[tilespmem:$0x18470] =	vst v1  }
0x28: {  	[tilespmem:$0x18480] =	vst v1  }
0x29: {  	[tilespmem:$0x18490] =	vst v1  }
0x2a: {  	[tilespmem:$0x184A0] =	vst v1  }
0x2b: {  	[tilespmem:$0x184B0] =	vst v1  }
0x2c: {  	[tilespmem:$0x184C0] =	vst v1  }
0x2d: {  	[tilespmem:$0x184D0] =	vst v1  }
0x2e: {  	[tilespmem:$0x184E0] =	vst v1  }
0x2f: {  	[tilespmem:$0x184F0] =	vst v1  }
0x30: {  	[tilespmem:$0x18500] =	vst v1  }
0x31: {  	[tilespmem:$0x18510] =	vst v1  }
0x32: {  	[tilespmem:$0x18520] =	vst v1  }
0x33: {  	[tilespmem:$0x18530] =	vst v1  }
0x34: {  	[tilespmem:$0x18540] =	vst v1  }
0x35: {  	[tilespmem:$0x18550] =	vst v1  }
0x36: {  	[tilespmem:$0x18560] =	vst v1  }
0x37: {  	[tilespmem:$0x18570] =	vst v1  }
0x38: {  	[tilespmem:$0x18580] =	vst v1  }
0x39: {  	[tilespmem:$0x18590] =	vst v1  }
0x3a: {  	[tilespmem:$0x185A0] =	vst v1  }
0x3b: {  	[tilespmem:$0x185B0] =	vst v1  }
0x3c: {  	[tilespmem:$0x185C0] =	vst v1  }
0x3d: {  	[tilespmem:$0x185D0] =	vst v1  }
0x3e: {  	[tilespmem:$0x185E0] =	vst v1  }
0x3f: {  	[tilespmem:$0x185F0] =	vst v1  }
0x40: {  	[tilespmem:$0x18600] =	vst v1  }
0x41: {  	[tilespmem:$0x18610] =	vst v1  }
0x42: {  	[tilespmem:$0x18620] =	vst v1  }
0x43: {  	[tilespmem:$0x18630] =	vst v1  }
0x44: {  	[tilespmem:$0x18640] =	vst v1  }
0x45: {  	[tilespmem:$0x18650] =	vst v1  }
0x46: {  	[tilespmem:$0x18660] =	vst v1  }
0x47: {  	[tilespmem:$0x18670] =	vst v1  }
0x48: {  	[spmem:s8] =	stream.linear.scatter [tilespmem:s16], [sflag:$0x2], $0x280, $0x38;
	[tilespmem:$0x18680] =	vst v63  }
0x49: {  	_ =	swait.ge [sflag:s15], $0x280  }
0x4a: {  	[sflag:s15] =	ssyncset.done $0x0  }
0x4b: {  	[sflag:s15] =	ssyncadd.s32 $0xFFFFFD80  }
0x4c: {  	s24 =	sadd.s32 $0x0, s13;
	[bflag:$0x0] =	sbarrier.arrive $0xFFFF  }
0x4d: {  	[tilespmem:s17], [sflag:$0x2] =	stream.linear.gather [hbm4b:s24+s4], $0x80, $0x38;
	[tilespmem:$0x18680] =	vst v63  }
0x4e: {  	_ =	swait.ge [sflag:s15], $0x80  }
0x4f: {  	[sflag:s15] =	ssyncset.done $0x0  }
0x50: {  	s31 =	sadd.s32 $0x0, s12;
	[sflag:s15] =	ssyncadd.s32 $0xFFFFFF80  }
0x51: {  	[tilespmem:s18], [sflag:$0x2] =	stream.linear.gather [hbm4b:s31+s4], $0x80, $0x38;
	[tilespmem:$0x18680] =	vst v63  }
0x52: {  	_ =	swait.ge [sflag:s15], $0x80  }
0x53: {  	[sflag:s15] =	ssyncset.done $0x0  }
0x54: {  	[sflag:s15] =	ssyncadd.s32 $0xFFFFFF80  }
0x55: {  	[tilespmem:s20], [sflag:$0x1] =	stream.indirect.gather [hbm4b:s5+s19], $0x80, s17, s19, $0xb8;
	[tilespmem:$0x18680] =	vst v63  }
0x56: {  	_ =	swait.ge [sflag:s21], $0x4000  }
0x57: {  	[sflag:s21] =	ssyncset.done $0x0  }
0x58: {  	[sflag:s21] =	ssyncadd.s32 $0xFFFFC000  }
0x59: {  	[spmem:s2] =	stream.indirect.scatter.add.f32 [tilespmem:s20], [sflag:$0x2], $0x80, s18, s19, $0xb8;
	[tilespmem:$0x18680] =	vst v63  }
0x5a: {  	_ =	swait.ge [sflag:s15], $0x4000  }
0x5b: {  	[sflag:s15] =	ssyncset.done $0x0  }
0x5c: {  	[sflag:s15] =	ssyncadd.s32 $0xFFFFC000  }
0x5d: {  	[spmem:s3] =	stream.indirect.scatter.add.f32 [tilespmem:s22], [sflag:$0x2], $0x1, s18, s19, $0xb8;
	[tilespmem:$0x18680] =	vst v63  }
0x5e: {  	_ =	swait.ge [sflag:s15], $0x80  }
0x5f: {  	s25 =	simm.s32 $0x20;
	s24 =	simm.s32 $0x10;
	[sflag:s15] =	ssyncset.done $0x0  }
.LBB2_2:
0x60: {  	s26 =	sadd.s32 s24, s13  }
0x61: {  	[sflag:s15] =	ssyncadd.s32 $0xFFFFFF80;
	s28 =	smov.u32 s25;
	s29 =	sadd.s32 $0x10, s25  }
0x62: {  	[tilespmem:s17], [sflag:$0x2] =	stream.linear.gather [hbm4b:s26+s4], $0x80, $0x38;
	[tilespmem:$0x18680] =	vst v63  }
0x63: {  	p0 =	sne.s32 s25, $0x4E0;
	_ =	swait.ge [sflag:s15], $0x80  }
0x64: {  	[sflag:s15] =	ssyncset.done $0x0  }
0x65: {  	s25 =	sadd.s32 s24, s12;
	s24 =	smov.u32 s28;
	[sflag:s15] =	ssyncadd.s32 $0xFFFFFF80  }
0x66: {  	[tilespmem:s18], [sflag:$0x2] =	stream.linear.gather [hbm4b:s25+s4], $0x80, $0x38;
	[tilespmem:$0x18680] =	vst v63  }
0x67: {  	_ =	swait.ge [sflag:s15], $0x80  }
0x68: {  	[sflag:s15] =	ssyncset.done $0x0  }
0x69: {  	[sflag:s15] =	ssyncadd.s32 $0xFFFFFF80  }
0x6a: {  	[tilespmem:s20], [sflag:$0x1] =	stream.indirect.gather [hbm4b:s5+s19], $0x80, s17, s19, $0xb8;
	[tilespmem:$0x18680] =	vst v63  }
0x6b: {  	_ =	swait.ge [sflag:s21], $0x4000  }
0x6c: {  	[sflag:s21] =	ssyncset.done $0x0  }
0x6d: {  	[sflag:s21] =	ssyncadd.s32 $0xFFFFC000  }
0x6e: {  	[spmem:s2] =	stream.indirect.scatter.add.f32 [tilespmem:s20], [sflag:$0x2], $0x80, s18, s19, $0xb8;
	[tilespmem:$0x18680] =	vst v63  }
0x6f: {  	_ =	swait.ge [sflag:s15], $0x4000  }
.Ltmp0:
0x70: {  	[sflag:s15] =	ssyncset.done $0x0;
	(pc) =	sbr.rel @p0 .LBB2_2-.Ltmp0, $4  }
0x71: {  	[sflag:s15] =	ssyncadd.s32 $0xFFFFC000  }
0x72: {  	[spmem:s3] =	stream.indirect.scatter.add.f32 [tilespmem:s22], [sflag:$0x2], $0x1, s18, s19, $0xb8;
	[tilespmem:$0x18680] =	vst v63  }
0x73: {  	_ =	swait.ge [sflag:s15], $0x80  }
0x74: {  	s25 =	smov.u32 s29;
	[sflag:s15] =	ssyncset.done $0x0  }
0x75: {  	s25 =	sadd.s32 s24, s13;
	[sflag:s15] =	ssyncadd.s32 $0xFFFFFF80  }
0x76: {  	[tilespmem:s17], [sflag:$0x2] =	stream.linear.gather [hbm4b:s25+s4], $0x80, $0x38;
	[tilespmem:$0x18680] =	vst v63  }
0x77: {  	_ =	swait.ge [sflag:s15], $0x80  }
0x78: {  	[sflag:s15] =	ssyncset.done $0x0  }
0x79: {  	s31 =	sadd.s32 s24, s12;
	[sflag:s15] =	ssyncadd.s32 $0xFFFFFF80  }
0x7a: {  	[tilespmem:s18], [sflag:$0x2] =	stream.linear.gather [hbm4b:s31+s4], $0x80, $0x38;
	[tilespmem:$0x18680] =	vst v63  }
0x7b: {  	_ =	swait.ge [sflag:s15], $0x80  }
0x7c: {  	[sflag:s15] =	ssyncset.done $0x0  }
0x7d: {  	[sflag:s15] =	ssyncadd.s32 $0xFFFFFF80  }
0x7e: {  	[tilespmem:s20], [sflag:$0x1] =	stream.indirect.gather [hbm4b:s5+s19], $0x80, s17, s19, $0xb8;
	[tilespmem:$0x18680] =	vst v63  }
0x7f: {  	_ =	swait.ge [sflag:s21], $0x4000  }
0x80: {  	[sflag:s21] =	ssyncset.done $0x0  }
0x81: {  	[sflag:s21] =	ssyncadd.s32 $0xFFFFC000  }
0x82: {  	[spmem:s2] =	stream.indirect.scatter.add.f32 [tilespmem:s20], [sflag:$0x2], $0x80, s18, s19, $0xb8;
	[tilespmem:$0x18680] =	vst v63  }
0x83: {  	_ =	swait.ge [sflag:s15], $0x4000  }
0x84: {  	[sflag:s15] =	ssyncset.done $0x0  }
0x85: {  	[sflag:s15] =	ssyncadd.s32 $0xFFFFC000  }
0x86: {  	[spmem:s3] =	stream.indirect.scatter.add.f32 [tilespmem:s22], [sflag:$0x2], $0x1, s18, s19, $0xb8;
	[tilespmem:$0x18680] =	vst v63  }
0x87: {  	_ =	swait.ge [sflag:s15], $0x80  }
0x88: {  	[sflag:s15] =	ssyncset.done $0x0  }
0x89: {  	[sflag:s15] =	ssyncadd.s32 $0xFFFFFF80  }
0x8a: {  	[bflag:$0x0] =	sbarrier.arrive $0xFFFF  }
0x8b: {  	[hbm:s9], [sflag:s7] =	dma.local [spmem:s14], $0x2800  }
0x8c: {  	_ =	swait.ge [sflag:s15], $0x2800  }
0x8d: {  	[sflag:s15] =	ssyncset.done $0x0  }
0x8e: {  	[sflag:s15] =	ssyncadd.s32 $0xFFFFD800  }
0x8f: {  	[tilespmem:s16], [sflag:$0x2] =	stream.linear.gather [spmem:s8], $0x280, $0x38;
	[tilespmem:$0x18680] =	vst v63  }
0x90: {  	s23 =	sadd.s32 $0x1, s23;
	_ =	swait.ge [sflag:s15], $0x280  }
0x91: {  	p0 =	sne.s32 s23, s11;
	[sflag:s15] =	ssyncset.done $0x0  }
.Ltmp1:
0x92: {  	[sflag:s15] =	ssyncadd.s32 $0xFFFFFD80;
	(pc) =	sbr.rel @p0 .LBB2_1-.Ltmp1, $4  }
0x93: {  	[hbm4b:s10+s4] =	stream.linear.scatter [tilespmem:s16], [sflag:$0x2], $0x280, $0x38;
	[tilespmem:$0x18680] =	vst v63  }
0x94: {  	_ =	swait.ge [sflag:s15], $0x280  }
0x95: {  	[sflag:s15] =	ssyncset.done $0x0  }
0x96: {  	[sflag:s15] =	ssyncadd.s32 $0xFFFFFD80  }
0x97: {  	_ =	sfence.sel $0x180000  }
0x98: {  	[bflag:$0x0] =	sbarrier.arrive $0xFFFF  }
0x99: {  	p0 =	sne.s32 s0, $0x0;
	_ =	strace $0x90000047  }
0x9a: {  	s0 =	sadd.s32 @!p0 $0x100000, s1;
	[bflag:$0x2] =	sbarrier.arrive $0xFFFF  }
0x9b: {  	[sflag:s0] =	ssyncadd.tile.s32 @!p0 $0x1;
	_ =	shalt  }
.Lfunc_end2:
_tile_overlayer_lowered:
.L_overlay_start_2:
0x9c: {  	(tag) =	ssettag $0x2  }
0x9d: {  	s0 =	rddreg [dreg:$0x0];
	s2 =	stileid.u32  }
0x9e: {  	s1 =	rddreg [dreg:$0x1];
	p0 =	sne.s32 s2, $0x0  }
0x9f: {  	s3 =	rddreg [dreg:$0x2];
	[bflag:$0x3] =	sbarrier.arrive $0xFFFF;
	s2 =	simm.s32 @!p0 $0x1C02  }
0xa0: {  	[timem:s3], [sflag:s2] =	dma.local @!p0 [hbm:s0], s1  }
0xa1: {  	s0 =	simm.s32 @!p0 $0x2  }
0xa2: {  	_ =	swait.ge @!p0 [sflag:s0], s1  }
0xa3: {  	s1 =	ssub.s32 @!p0 $0x0, s1;
	[sflag:s0] =	ssyncset.done @!p0 $0x0  }
0xa4: {  	[sflag:s0] =	ssyncadd.s32 @!p0 s1  }
0xa5: {  	[bflag:$0x3] =	sbarrier.arrive $0xFFFF  }
0xa6: {  	_ =	shalt  }

</sc_bundles>
